<compile_context>
chip_gen: v7x
topology: tpu7x:2x2x1
jax: 0.10.2.dev20260603
libtpu: 0.0.44.dev20260713+nightly
codegen_flags: <defaults>
</compile_context>

<pallas_src>
import dataclasses
import functools

import jax
import jax.numpy as jnp
from jax import lax
from jax.experimental import pallas as pl
from jax.experimental.pallas import tpu as pltpu
from jax.experimental.pallas import tpu_sc as plsc

_L = 16
_COLS = 128
_FSEG = 25
_NSEG = 4
_NACC = _L + 1
_TC_COLS = 12288


def _sc_pool_t(xt, b, f, d, col0, ncols):
    mesh = plsc.VectorSubcoreMesh(core_axis_name="core", subcore_axis_name="subcore")
    cp = pltpu.CompilerParams()
    if "needs_layout_passes" in pltpu.CompilerParams.__dataclass_fields__:
        cp = dataclasses.replace(cp, needs_layout_passes=False)
    seg_rows = _FSEG * d
    n_lg = _COLS // _L
    chunk0 = col0 // _COLS

    @functools.partial(
        pl.kernel,
        out_type=jax.ShapeDtypeStruct((ncols,), jnp.float32),
        mesh=mesh,
        compiler_params=cp,
        scratch_types=[pltpu.VMEM((n_lg * _NACC * _L,), jnp.float32)],
    )
    def k(x_hbm, o_hbm, acc_ref):
        def body(x_vmem, o_vmem, acc):
            r = pl.program_id(1)
            first = r == 0

            @pl.loop(0, n_lg)
            def per_lane_group(g):
                base = g * (_NACC * _L)
                ss = [
                    jnp.where(first, 0.0, acc[pl.ds(base + t * _L, _L)])
                    for t in range(_L)
                ]
                qs = (
                    jnp.where(first, 0.0, acc[pl.ds(base + _L * _L, _L)]),
                    jnp.zeros((_L,), jnp.float32),
                    jnp.zeros((_L,), jnp.float32),
                    jnp.zeros((_L,), jnp.float32),
                )

                def fstep(fi, carry):
                    row = fi * d
                    s = list(carry[:_L])
                    q = list(carry[_L:])
                    for dd in range(d):
                        v = x_vmem[row + dd, pl.ds(g * _L, _L)]
                        s[dd] = s[dd] + v
                        q[dd % 4] = q[dd % 4] + v * v
                    return tuple(s) + tuple(q)

                state = lax.fori_loop(0, _FSEG, fstep, tuple(ss) + qs)
                ss = state[:_L]
                q = (state[_L] + state[_L + 1]) + (state[_L + 2] + state[_L + 3])
                for t in range(_L):
                    acc[pl.ds(base + t * _L, _L)] = ss[t]
                acc[pl.ds(base + _L * _L, _L)] = q
                tot = ss[0] * ss[0]
                for t in range(1, _L):
                    tot = tot + ss[t] * ss[t]
                o_vmem[pl.ds(g * _L, _L)] = (tot - q) * 0.5

        pltpu.emit_pipeline(
            body,
            grid=(ncols // _COLS, _NSEG),
            in_specs=[pl.BlockSpec((seg_rows, _COLS), lambda i, j: (j, i + chunk0))],
            out_specs=[pl.BlockSpec((_COLS,), lambda i, j: (i,))],
            core_axis_name=("core", "subcore"),
            dimension_semantics=(pltpu.PARALLEL, pltpu.ARBITRARY),
        )(x_hbm, o_hbm, scratches=[acc_ref])

    return k(xt)


def _tc_pool_t(xt, b, f, d, ncols):
    fb = 10
    steps = f // fb

    def tck(x_ref, o_ref, s_ref, q_ref):
        r = pl.program_id(0)
        sl = x_ref[pl.ds(0, d), :]
        s2l = sl * sl
        for jf in range(1, fb):
            v = x_ref[pl.ds(jf * d, d), :]
            sl = sl + v
            s2l = s2l + v * v
        s = jnp.where(r == 0, sl, s_ref[...] + sl)
        q = jnp.where(r == 0, s2l, q_ref[...] + s2l)
        s_ref[...] = s
        q_ref[...] = q

        @pl.when(r == steps - 1)
        def _():
            o_ref[0, :] = (jnp.sum(s * s, axis=0) - jnp.sum(q, axis=0)) * 0.5

    return pl.pallas_call(
        tck,
        grid=(steps,),
        in_specs=[pl.BlockSpec((fb * d, ncols), lambda r: (r, 0))],
        out_specs=pl.BlockSpec((1, ncols), lambda r: (0, 0)),
        out_shape=jax.ShapeDtypeStruct((1, ncols), jnp.float32),
        scratch_shapes=[
            pltpu.VMEM((d, ncols), jnp.float32),
            pltpu.VMEM((d, ncols), jnp.float32),
        ],
    )(xt)


@functools.partial(jax.jit, static_argnums=(1, 2, 3))
def _pool(x, b, f, d):
    xt = x.transpose(1, 2, 0).reshape(f * d, b)
    sc_out = _sc_pool_t(xt, b, f, d, _TC_COLS, b - _TC_COLS)
    tc_out = _tc_pool_t(xt, b, f, d, _TC_COLS)
    return jnp.concatenate([tc_out.reshape(-1), sc_out]).reshape(b, 1)


def kernel(feature_emb):
    b, f, d = feature_emb.shape
    return _pool(feature_emb, b, f, d)

# --- scband reference (transcript-rebuilt; emitter-appended) ---
"""Pipeline reference for scband-inner-product-layer-38809324487071 (READ-ONLY COPY).

The authoritative reference and input builder live on the scoring server;
editing this copy changes nothing except your own understanding.
"""

import jax, jax.numpy as jnp
import numpy as np


def setup_inputs(seed: int = 0) -> dict:
    key = jax.random.key(seed)
    feature_emb = jax.random.normal(key, (16384, 100, 16), dtype=jnp.float32)
    return {"feature_emb": feature_emb}


def reference(feature_emb):
    # InnerProductLayer with output='product_sum_pooling'
    # sum_of_square = (sum over fields)^2 ; square_of_sum = sum over fields of emb^2
    sum_of_square = jnp.sum(feature_emb, axis=1) ** 2          # [B, D]
    square_of_sum = jnp.sum(feature_emb ** 2, axis=1)          # [B, D]
    bi_interaction = (sum_of_square - square_of_sum) * 0.5     # [B, D]
    return jnp.sum(bi_interaction, axis=-1, keepdims=True)     # [B, 1]

if __name__ == "__main__":
    import jax
    _d = setup_inputs()
    print(jax.jit(kernel)(*tuple(_d.values())))

</pallas_src>

<mosaic_0001>
#map = affine_map<(d0, d1) -> (0, 0)>
#map1 = affine_map<(d0, d1) -> (0)>
module attributes {stable_mosaic.version = 14 : i64} {
  func.func @k(%arg0: i32, %arg1: i32, %arg2: memref<1600x16384xf32, #tpu.memory_space<hbm>>, %arg3: memref<4096xf32, #tpu.memory_space<hbm>>, %arg4: memref<2176xf32, #tpu.memory_space<vmem>>) attributes {dimension_semantics = [#tpu.dimension_semantics<core_parallel>, #tpu.dimension_semantics<subcore_parallel>], iteration_bounds = array<i64: 2, 16>, scalar_prefetch = 0 : i64, scratch_operands = 1 : i64, tpu.core_type = #tpu.core_type<sc_vector_subcore>, window_params = [{transform_indices = #map}, {transform_indices = #map1}]} {
    %mul3A = arith.constant 1 : i32
    %mul3A_0 = arith.muli %arg1, %mul3A : i32
    %add3A = arith.constant 0 : i32
    %add3A_1 = arith.addi %add3A, %mul3A_0 : i32
    %mul3A_2 = arith.constant 16 : i32
    %mul3A_3 = arith.muli %arg0, %mul3A_2 : i32
    %add3A_4 = arith.addi %add3A_1, %mul3A_3 : i32
    %mul3A_5 = arith.constant 1 : i32
    %mul3A_6 = arith.muli %add3A_4, %mul3A_5 : i32
    "tpu.region"() ({
      %run_scoped3A = memref.alloca() : memref<2x400x128xf32, #tpu.memory_space<vmem>>
      %run_scoped3A_7 = tpu.sem_alloc : memref<2x!tpu.dma_semaphore, #tpu.memory_space<semaphore_mem>>
      %run_scoped3A_8 = memref.alloca() : memref<256xf32, #tpu.memory_space<vmem>>
      %run_scoped3A_9 = tpu.sem_alloc : memref<2x!tpu.dma_semaphore, #tpu.memory_space<semaphore_mem>>
      %add3A_10 = arith.constant 0 : i32
      %add3A_11 = arith.addi %add3A_10, %mul3A_6 : i32
      %select_n3A = arith.constant true
      %select_n3A_12 = arith.constant 0 : i32
      %select_n3A_13 = arith.constant -1 : i32
      %select_n3A_14 = arith.select %select_n3A, %select_n3A_13, %select_n3A_12 : i32
      %eq3A = arith.constant -1 : i32
      %eq3A_15 = arith.cmpi eq, %select_n3A_14, %eq3A : i32
      %select_n3A_16 = arith.constant 3 : i32
      %select_n3A_17 = arith.select %eq3A_15, %select_n3A_16, %select_n3A_14 : i32
      %select_n3A_18 = arith.constant 0 : i32
      %select_n3A_19 = arith.constant -1 : i32
      %select_n3A_20 = arith.select %eq3A_15, %select_n3A_19, %select_n3A_18 : i32
      %eq3A_21 = arith.constant -1 : i32
      %eq3A_22 = arith.cmpi eq, %select_n3A_20, %eq3A_21 : i32
      %select_n3A_23 = arith.constant 0 : i32
      %select_n3A_24 = arith.select %eq3A_22, %select_n3A_23, %select_n3A_20 : i32
      %add3A_25 = arith.constant 0 : i32
      %add3A_26 = arith.addi %add3A_25, %mul3A_6 : i32
      %add3A_27 = arith.constant 0 : i32
      %add3A_28 = arith.addi %select_n3A_17, %add3A_27 : i32
      %select_n3A_29 = arith.constant true
      %select_n3A_30 = arith.constant 0 : i32
      %select_n3A_31 = arith.constant 1 : i32
      %select_n3A_32 = arith.select %select_n3A_29, %select_n3A_31, %select_n3A_30 : i32
      %eq3A_33 = arith.constant 4 : i32
      %eq3A_34 = arith.cmpi eq, %select_n3A_32, %eq3A_33 : i32
      %select_n3A_35 = arith.constant 0 : i32
      %select_n3A_36 = arith.select %eq3A_34, %select_n3A_35, %select_n3A_32 : i32
      %select_n3A_37 = arith.constant 0 : i32
      %select_n3A_38 = arith.constant 1 : i32
      %select_n3A_39 = arith.select %eq3A_34, %select_n3A_38, %select_n3A_37 : i32
      %eq3A_40 = arith.constant 1 : i32
      %eq3A_41 = arith.cmpi eq, %select_n3A_39, %eq3A_40 : i32
      %select_n3A_42 = arith.constant 0 : i32
      %select_n3A_43 = arith.select %eq3A_41, %select_n3A_42, %select_n3A_39 : i32
      %add3A_44 = arith.constant 0 : i32
      %add3A_45 = arith.addi %add3A_44, %mul3A_6 : i32
      %add3A_46 = arith.constant 0 : i32
      %add3A_47 = arith.addi %select_n3A_36, %add3A_46 : i32
      %add3A_48 = arith.constant 1 : i32
      %add3A_49 = arith.addi %select_n3A_36, %add3A_48 : i32
      %select_n3A_50 = arith.constant true
      %select_n3A_51 = arith.select %select_n3A_50, %add3A_49, %select_n3A_36 : i32
      %eq3A_52 = arith.constant 4 : i32
      %eq3A_53 = arith.cmpi eq, %select_n3A_51, %eq3A_52 : i32
      %select_n3A_54 = arith.constant 0 : i32
      %select_n3A_55 = arith.select %eq3A_53, %select_n3A_54, %select_n3A_51 : i32
      %select_n3A_56 = arith.constant 0 : i32
      %select_n3A_57 = arith.constant 1 : i32
      %select_n3A_58 = arith.select %eq3A_53, %select_n3A_57, %select_n3A_56 : i32
      %eq3A_59 = arith.constant 1 : i32
      %eq3A_60 = arith.cmpi eq, %select_n3A_58, %eq3A_59 : i32
      %select_n3A_61 = arith.constant 0 : i32
      %select_n3A_62 = arith.select %eq3A_60, %select_n3A_61, %select_n3A_58 : i32
      %add3A_63 = arith.constant 0 : i32
      %add3A_64 = arith.addi %add3A_63, %mul3A_6 : i32
      %add3A_65 = arith.constant 0 : i32
      %add3A_66 = arith.addi %select_n3A_55, %add3A_65 : i32
      "tpu.trace_start"() <{level = 10 : i32, message = "ep_initialize_0"}> : () -> ()
      %rem3A = arith.constant 0 : i32
      %rem3A_67 = arith.constant 2 : i32
      %rem3A_68 = arith.remui %rem3A, %rem3A_67 : i32
      %add3A_69 = arith.constant 96 : i32
      %add3A_70 = arith.addi %add3A_11, %add3A_69 : i32
      %mul3A_71 = arith.constant 128 : i32
      %mul3A_72 = arith.muli %mul3A_71, %add3A_70 : i32
      %dma_start3A = arith.constant 0 : i32
      %dma_start3A_73 = arith.constant 0 : i32
      %dma_start3A_74 = tpu.memref_slice %run_scoped3A[%rem3A_68, %dma_start3A, %dma_start3A_73] : memref<2x400x128xf32, #tpu.memory_space<vmem>> -> memref<1x400x128xf32, #tpu.memory_space<vmem>>
      %dma_start3A_75 = tpu.memref_squeeze %dma_start3A_74 : memref<1x400x128xf32, #tpu.memory_space<vmem>> -> memref<400x128xf32, #tpu.memory_space<vmem>>
      %dma_start3A_76 = arith.constant 0 : i32
      %dma_start3A_77 = tpu.memref_slice %arg2[%dma_start3A_76, %mul3A_72] : memref<1600x16384xf32, #tpu.memory_space<hbm>> -> memref<400x128xf32, #tpu.memory_space<hbm>>
      %dma_start3A_78 = tpu.memref_slice %run_scoped3A_7[%rem3A_68] : memref<2x!tpu.dma_semaphore, #tpu.memory_space<semaphore_mem>> -> memref<1x!tpu.dma_semaphore, #tpu.memory_space<semaphore_mem>>
      %dma_start3A_79 = tpu.memref_squeeze %dma_start3A_78 : memref<1x!tpu.dma_semaphore, #tpu.memory_space<semaphore_mem>> -> memref<!tpu.dma_semaphore, #tpu.memory_space<semaphore_mem>>
      %dma_start3A_80 = arith.constant 0 : i32
      %dma_start3A_81 = arith.constant 0 : i32
      %dma_start3A_82 = tpu.memref_slice %run_scoped3A[%rem3A_68, %dma_start3A_80, %dma_start3A_81] : memref<2x400x128xf32, #tpu.memory_space<vmem>> -> memref<1x400x128xf32, #tpu.memory_space<vmem>>
      %dma_start3A_83 = tpu.memref_squeeze %dma_start3A_82 : memref<1x400x128xf32, #tpu.memory_space<vmem>> -> memref<400x128xf32, #tpu.memory_space<vmem>>
      %dma_start3A_84 = arith.constant 0 : i32
      %dma_start3A_85 = tpu.memref_slice %arg2[%dma_start3A_84, %mul3A_72] : memref<1600x16384xf32, #tpu.memory_space<hbm>> -> memref<400x128xf32, #tpu.memory_space<hbm>>
      tpu.enqueue_dma source(%dma_start3A_85 : memref<400x128xf32, #tpu.memory_space<hbm>>) target(%dma_start3A_83 : memref<400x128xf32, #tpu.memory_space<vmem>>) target_semaphore(%dma_start3A_79 : memref<!tpu.dma_semaphore, #tpu.memory_space<semaphore_mem>>)
      %add3A_86 = arith.constant 0 : i32
      %add3A_87 = arith.constant 1 : i32
      %add3A_88 = arith.addi %add3A_86, %add3A_87 : i32
      %select_n3A_89 = arith.constant true
      %select_n3A_90 = arith.constant 0 : i32
      %select_n3A_91 = arith.select %select_n3A_89, %add3A_88, %select_n3A_90 : i32
      "tpu.trace_stop"() : () -> ()
      %scan3A = arith.constant 0 : i32
      %scan3A_92 = arith.constant 0 : i32
      %scan3A_93 = arith.constant 0 : i32
      %scan3A_94 = arith.constant 0 : i32
      %scan3A_95 = arith.constant 0 : i32
      %scan3A_96 = arith.constant 0 : i32
      %scan3A_97 = arith.constant 4 : i32
      %scan3A_98 = arith.addi %scan3A_96, %scan3A_97 : i32
      %scan3A_99 = arith.constant 1 : i32
      %scan3A_100:6 = scf.for %scan3A_190 = %scan3A_96 to %scan3A_98 step %scan3A_99 iter_args(%scan3A_191 = %select_n3A_91, %scan3A_192 = %scan3A, %scan3A_193 = %scan3A_92, %scan3A_194 = %scan3A_93, %scan3A_195 = %scan3A_94, %scan3A_196 = %scan3A_95) -> (i32, i32, i32, i32, i32, i32)  : i32 {
        %eq3A_197 = arith.constant 0 : i32
        %eq3A_198 = arith.cmpi eq, %scan3A_190, %eq3A_197 : i32
        %eq3A_199 = arith.constant 3 : i32
        %eq3A_200 = arith.cmpi eq, %scan3A_190, %eq3A_199 : i32
        %add3A_201 = arith.constant 0 : i32
        %add3A_202 = arith.addi %add3A_201, %mul3A_6 : i32
        %add3A_203 = arith.constant 0 : i32
        %add3A_204 = arith.addi %scan3A_196, %add3A_203 : i32
        %sub3A_205 = arith.constant 1 : i32
        %sub3A_206 = arith.subi %scan3A_196, %sub3A_205 : i32
        %select_n3A_207 = arith.constant true
        %select_n3A_208 = arith.select %select_n3A_207, %sub3A_206, %scan3A_196 : i32
        %eq3A_209 = arith.constant -1 : i32
        %eq3A_210 = arith.cmpi eq, %select_n3A_208, %eq3A_209 : i32
        %select_n3A_211 = arith.constant 3 : i32
        %select_n3A_212 = arith.select %eq3A_210, %select_n3A_211, %select_n3A_208 : i32
        %select_n3A_213 = arith.constant 0 : i32
        %select_n3A_214 = arith.constant -1 : i32
        %select_n3A_215 = arith.select %eq3A_210, %select_n3A_214, %select_n3A_213 : i32
        %eq3A_216 = arith.constant -1 : i32
        %eq3A_217 = arith.cmpi eq, %select_n3A_215, %eq3A_216 : i32
        %select_n3A_218 = arith.constant 0 : i32
        %select_n3A_219 = arith.select %eq3A_217, %select_n3A_218, %select_n3A_215 : i32
        %add3A_220 = arith.constant 0 : i32
        %add3A_221 = arith.addi %add3A_220, %mul3A_6 : i32
        %add3A_222 = arith.constant 0 : i32
        %add3A_223 = arith.addi %select_n3A_212, %add3A_222 : i32
        %add3A_224 = arith.constant 1 : i32
        %add3A_225 = arith.addi %scan3A_196, %add3A_224 : i32
        %select_n3A_226 = arith.constant true
        %select_n3A_227 = arith.select %select_n3A_226, %add3A_225, %scan3A_196 : i32
        %eq3A_228 = arith.constant 4 : i32
        %eq3A_229 = arith.cmpi eq, %select_n3A_227, %eq3A_228 : i32
        %select_n3A_230 = arith.constant 0 : i32
        %select_n3A_231 = arith.select %eq3A_229, %select_n3A_230, %select_n3A_227 : i32
        %select_n3A_232 = arith.constant 0 : i32
        %select_n3A_233 = arith.constant 1 : i32
        %select_n3A_234 = arith.select %eq3A_229, %select_n3A_233, %select_n3A_232 : i32
        %eq3A_235 = arith.constant 1 : i32
        %eq3A_236 = arith.cmpi eq, %select_n3A_234, %eq3A_235 : i32
        %select_n3A_237 = arith.constant 0 : i32
        %select_n3A_238 = arith.select %eq3A_236, %select_n3A_237, %select_n3A_234 : i32
        %add3A_239 = arith.constant 0 : i32
        %add3A_240 = arith.addi %add3A_239, %mul3A_6 : i32
        %add3A_241 = arith.constant 0 : i32
        %add3A_242 = arith.addi %select_n3A_231, %add3A_241 : i32
        %add3A_243 = arith.constant 1 : i32
        %add3A_244 = arith.addi %select_n3A_231, %add3A_243 : i32
        %select_n3A_245 = arith.constant true
        %select_n3A_246 = arith.select %select_n3A_245, %add3A_244, %select_n3A_231 : i32
        %eq3A_247 = arith.constant 4 : i32
        %eq3A_248 = arith.cmpi eq, %select_n3A_246, %eq3A_247 : i32
        %select_n3A_249 = arith.constant 0 : i32
        %select_n3A_250 = arith.select %eq3A_248, %select_n3A_249, %select_n3A_246 : i32
        %select_n3A_251 = arith.constant 0 : i32
        %select_n3A_252 = arith.constant 1 : i32
        %select_n3A_253 = arith.select %eq3A_248, %select_n3A_252, %select_n3A_251 : i32
        %eq3A_254 = arith.constant 1 : i32
        %eq3A_255 = arith.cmpi eq, %select_n3A_253, %eq3A_254 : i32
        %select_n3A_256 = arith.constant 0 : i32
        %select_n3A_257 = arith.select %eq3A_255, %select_n3A_256, %select_n3A_253 : i32
        %add3A_258 = arith.constant 0 : i32
        %add3A_259 = arith.addi %add3A_258, %mul3A_6 : i32
        %add3A_260 = arith.constant 0 : i32
        %add3A_261 = arith.addi %select_n3A_250, %add3A_260 : i32
        %add3A_262 = arith.constant 96 : i32
        %add3A_263 = arith.addi %add3A_202, %add3A_262 : i32
        %add3A_264 = arith.constant 96 : i32
        %add3A_265 = arith.addi %add3A_240, %add3A_264 : i32
        %ne3A = arith.cmpi ne, %add3A_204, %add3A_242 : i32
        %ne3A_266 = arith.cmpi ne, %add3A_263, %add3A_265 : i32
        %or3A = arith.constant false
        %or3A_267 = arith.ori %or3A, %ne3A : i1
        %or3A_268 = arith.ori %or3A_267, %ne3A_266 : i1
        %ge3A = arith.constant 3 : i32
        %ge3A_269 = arith.cmpi sge, %scan3A_190, %ge3A : i32
        %not3A = arith.constant true
        %not3A_270 = arith.xori %ge3A_269, %not3A : i1
        %and3A = arith.andi %or3A_268, %not3A_270 : i1
        %convert_element_type3A = arith.extui %and3A : i1 to i32
        %cond3A = arith.constant 0 : i32
        %cond3A_271 = arith.cmpi ne, %convert_element_type3A, %cond3A : i32
        scf.if %cond3A_271 {
          "tpu.trace_start"() <{level = 10 : i32, message = "ep_copy_in"}> : () -> ()
          %rem3A_405 = arith.constant 2 : i32
          %rem3A_406 = arith.remui %scan3A_191, %rem3A_405 : i32
          %add3A_407 = arith.constant 96 : i32
          %add3A_408 = arith.addi %add3A_240, %add3A_407 : i32
          %mul3A_409 = arith.constant 400 : i32
          %mul3A_410 = arith.muli %mul3A_409, %add3A_242 : i32
          %mul3A_411 = arith.constant 128 : i32
          %mul3A_412 = arith.muli %mul3A_411, %add3A_408 : i32
          %dma_start3A_413 = arith.constant 0 : i32
          %dma_start3A_414 = arith.constant 0 : i32
          %dma_start3A_415 = tpu.memref_slice %run_scoped3A[%rem3A_406, %dma_start3A_413, %dma_start3A_414] : memref<2x400x128xf32, #tpu.memory_space<vmem>> -> memref<1x400x128xf32, #tpu.memory_space<vmem>>
          %dma_start3A_416 = tpu.memref_squeeze %dma_start3A_415 : memref<1x400x128xf32, #tpu.memory_space<vmem>> -> memref<400x128xf32, #tpu.memory_space<vmem>>
          %dma_start3A_417 = tpu.memref_slice %arg2[%mul3A_410, %mul3A_412] : memref<1600x16384xf32, #tpu.memory_space<hbm>> -> memref<400x128xf32, #tpu.memory_space<hbm>>
          %dma_start3A_418 = tpu.memref_slice %run_scoped3A_7[%rem3A_406] : memref<2x!tpu.dma_semaphore, #tpu.memory_space<semaphore_mem>> -> memref<1x!tpu.dma_semaphore, #tpu.memory_space<semaphore_mem>>
          %dma_start3A_419 = tpu.memref_squeeze %dma_start3A_418 : memref<1x!tpu.dma_semaphore, #tpu.memory_space<semaphore_mem>> -> memref<!tpu.dma_semaphore, #tpu.memory_space<semaphore_mem>>
          %dma_start3A_420 = arith.constant 0 : i32
          %dma_start3A_421 = arith.constant 0 : i32
          %dma_start3A_422 = tpu.memref_slice %run_scoped3A[%rem3A_406, %dma_start3A_420, %dma_start3A_421] : memref<2x400x128xf32, #tpu.memory_space<vmem>> -> memref<1x400x128xf32, #tpu.memory_space<vmem>>
          %dma_start3A_423 = tpu.memref_squeeze %dma_start3A_422 : memref<1x400x128xf32, #tpu.memory_space<vmem>> -> memref<400x128xf32, #tpu.memory_space<vmem>>
          %dma_start3A_424 = tpu.memref_slice %arg2[%mul3A_410, %mul3A_412] : memref<1600x16384xf32, #tpu.memory_space<hbm>> -> memref<400x128xf32, #tpu.memory_space<hbm>>
          tpu.enqueue_dma source(%dma_start3A_424 : memref<400x128xf32, #tpu.memory_space<hbm>>) target(%dma_start3A_423 : memref<400x128xf32, #tpu.memory_space<vmem>>) target_semaphore(%dma_start3A_419 : memref<!tpu.dma_semaphore, #tpu.memory_space<semaphore_mem>>)
          "tpu.trace_stop"() : () -> ()
        } else {
        }
        %and3A_272 = arith.constant true
        %and3A_273 = arith.andi %and3A, %and3A_272 : i1
        %add3A_274 = arith.constant 1 : i32
        %add3A_275 = arith.addi %scan3A_191, %add3A_274 : i32
        %select_n3A_276 = arith.select %and3A_273, %add3A_275, %scan3A_191 : i32
        %ne3A_277 = arith.cmpi ne, %add3A_202, %add3A_240 : i32
        %or3A_278 = arith.constant false
        %or3A_279 = arith.ori %or3A_278, %ne3A_277 : i1
        %ge3A_280 = arith.constant 3 : i32
        %ge3A_281 = arith.cmpi sge, %scan3A_190, %ge3A_280 : i32
        %not3A_282 = arith.constant true
        %not3A_283 = arith.xori %ge3A_281, %not3A_282 : i1
        %and3A_284 = arith.andi %or3A_279, %not3A_283 : i1
        %add3A_285 = arith.constant 96 : i32
        %add3A_286 = arith.addi %add3A_202, %add3A_285 : i32
        %add3A_287 = arith.constant 96 : i32
        %add3A_288 = arith.addi %add3A_221, %add3A_287 : i32
        %ne3A_289 = arith.cmpi ne, %add3A_204, %add3A_223 : i32
        %ne3A_290 = arith.cmpi ne, %add3A_286, %add3A_288 : i32
        %or3A_291 = arith.constant false
        %or3A_292 = arith.ori %or3A_291, %ne3A_289 : i1
        %or3A_293 = arith.ori %or3A_292, %ne3A_290 : i1
        %or3A_294 = arith.ori %or3A_293, %eq3A_198 : i1
        %convert_element_type3A_295 = arith.extui %or3A_294 : i1 to i32
        %cond3A_296 = arith.constant 0 : i32
        %cond3A_297 = arith.cmpi ne, %convert_element_type3A_295, %cond3A_296 : i32
        scf.if %cond3A_297 {
          "tpu.trace_start"() <{level = 10 : i32, message = "ep_wait_in"}> : () -> ()
          %add3A_405 = arith.constant 96 : i32
          %add3A_406 = arith.addi %add3A_202, %add3A_405 : i32
          %mul3A_407 = arith.constant 400 : i32
          %mul3A_408 = arith.muli %mul3A_407, %add3A_204 : i32
          %mul3A_409 = arith.constant 128 : i32
          %mul3A_410 = arith.muli %mul3A_409, %add3A_406 : i32
          %rem3A_411 = arith.constant 2 : i32
          %rem3A_412 = arith.remui %scan3A_192, %rem3A_411 : i32
          %dma_wait3A_413 = arith.constant 0 : i32
          %dma_wait3A_414 = arith.constant 0 : i32
          %dma_wait3A_415 = tpu.memref_slice %run_scoped3A[%rem3A_412, %dma_wait3A_413, %dma_wait3A_414] : memref<2x400x128xf32, #tpu.memory_space<vmem>> -> memref<1x400x128xf32, #tpu.memory_space<vmem>>
          %dma_wait3A_416 = tpu.memref_squeeze %dma_wait3A_415 : memref<1x400x128xf32, #tpu.memory_space<vmem>> -> memref<400x128xf32, #tpu.memory_space<vmem>>
          %dma_wait3A_417 = tpu.memref_slice %arg2[%mul3A_408, %mul3A_410] : memref<1600x16384xf32, #tpu.memory_space<hbm>> -> memref<400x128xf32, #tpu.memory_space<hbm>>
          %dma_wait3A_418 = tpu.memref_slice %run_scoped3A_7[%rem3A_412] : memref<2x!tpu.dma_semaphore, #tpu.memory_space<semaphore_mem>> -> memref<1x!tpu.dma_semaphore, #tpu.memory_space<semaphore_mem>>
          %dma_wait3A_419 = tpu.memref_squeeze %dma_wait3A_418 : memref<1x!tpu.dma_semaphore, #tpu.memory_space<semaphore_mem>> -> memref<!tpu.dma_semaphore, #tpu.memory_space<semaphore_mem>>
          %dma_wait3A_420 = arith.constant 0 : i32
          %dma_wait3A_421 = arith.constant 0 : i32
          %dma_wait3A_422 = tpu.memref_slice %run_scoped3A[%rem3A_412, %dma_wait3A_420, %dma_wait3A_421] : memref<2x400x128xf32, #tpu.memory_space<vmem>> -> memref<1x400x128xf32, #tpu.memory_space<vmem>>
          %dma_wait3A_423 = tpu.memref_squeeze %dma_wait3A_422 : memref<1x400x128xf32, #tpu.memory_space<vmem>> -> memref<400x128xf32, #tpu.memory_space<vmem>>
          %dma_wait3A_424 = tpu.memref_slice %arg2[%mul3A_408, %mul3A_410] : memref<1600x16384xf32, #tpu.memory_space<hbm>> -> memref<400x128xf32, #tpu.memory_space<hbm>>
          tpu.wait_dma2 semaphore(%dma_wait3A_419 : memref<!tpu.dma_semaphore, #tpu.memory_space<semaphore_mem>>) src(%dma_wait3A_424 : memref<400x128xf32, #tpu.memory_space<hbm>>) dst(%dma_wait3A_423 : memref<400x128xf32, #tpu.memory_space<vmem>>)
          "tpu.trace_stop"() : () -> ()
        } else {
        }
        %ne3A_298 = arith.cmpi ne, %add3A_202, %add3A_221 : i32
        %or3A_299 = arith.constant false
        %or3A_300 = arith.ori %or3A_299, %ne3A_298 : i1
        %or3A_301 = arith.ori %or3A_300, %eq3A_198 : i1
        %convert_element_type3A_302 = arith.extui %or3A_301 : i1 to i32
        %cond3A_303 = arith.constant 0 : i32
        %cond3A_304 = arith.cmpi ne, %convert_element_type3A_302, %cond3A_303 : i32
        scf.if %cond3A_304 {
        } else {
        }
        %rem3A_305 = arith.constant 2 : i32
        %rem3A_306 = arith.remui %scan3A_192, %rem3A_305 : i32
        %rem3A_307 = arith.constant 2 : i32
        %rem3A_308 = arith.remui %scan3A_193, %rem3A_307 : i32
        %mul3A_309 = arith.constant 128 : i32
        %mul3A_310 = arith.muli %rem3A_308, %mul3A_309 : i32
        %eq3A_311 = arith.constant 0 : i32
        "tpu.trace_start"() <{level = 10 : i32, message = "ep_run_kernel"}> : () -> ()
        %eq3A_312 = arith.cmpi eq, %add3A_204, %eq3A_311 : i32
        %scan3A_313 = arith.constant 0 : i32
        %scan3A_314 = arith.constant 8 : i32
        %scan3A_315 = arith.addi %scan3A_313, %scan3A_314 : i32
        %scan3A_316 = arith.constant 1 : i32
        scf.for %scan3A_405 = %scan3A_313 to %scan3A_315 step %scan3A_316  : i32 {
          %mul3A_406 = arith.constant 1 : i32
          %mul3A_407 = arith.muli %scan3A_405, %mul3A_406 : i32
          %add3A_408 = arith.constant 0 : i32
          %add3A_409 = arith.addi %add3A_408, %mul3A_407 : i32
          %mul3A_410 = arith.constant 272 : i32
          %mul3A_411 = arith.muli %add3A_409, %mul3A_410 : i32
          %add3A_412 = arith.constant 0 : i32
          %add3A_413 = arith.addi %mul3A_411, %add3A_412 : i32
          %get3A = arith.index_cast %add3A_413 : i32 to index
          %get3A_414 = tpu.vector_load %arg4[%get3A] {strides = array<i32>} : memref<2176xf32, #tpu.memory_space<vmem>>, vector<16xf32>,
          %jit3A = arith.constant 0.000000e+00 : f32
          %broadcast_in_dim3A = vector.broadcast %jit3A : f32 to vector<16xf32>
          %select_n3A_415 = arith.select %eq3A_312, %broadcast_in_dim3A, %get3A_414 : vector<16xf32>
          %add3A_416 = arith.constant 16 : i32
          %add3A_417 = arith.addi %mul3A_411, %add3A_416 : i32
          %get3A_418 = arith.index_cast %add3A_417 : i32 to index
          %get3A_419 = tpu.vector_load %arg4[%get3A_418] {strides = array<i32>} : memref<2176xf32, #tpu.memory_space<vmem>>, vector<16xf32>,
          %jit3A_420 = arith.constant 0.000000e+00 : f32
          %broadcast_in_dim3A_421 = vector.broadcast %jit3A_420 : f32 to vector<16xf32>
          %select_n3A_422 = arith.select %eq3A_312, %broadcast_in_dim3A_421, %get3A_419 : vector<16xf32>
          %add3A_423 = arith.constant 32 : i32
          %add3A_424 = arith.addi %mul3A_411, %add3A_423 : i32
          %get3A_425 = arith.index_cast %add3A_424 : i32 to index
          %get3A_426 = tpu.vector_load %arg4[%get3A_425] {strides = array<i32>} : memref<2176xf32, #tpu.memory_space<vmem>>, vector<16xf32>,
          %jit3A_427 = arith.constant 0.000000e+00 : f32
          %broadcast_in_dim3A_428 = vector.broadcast %jit3A_427 : f32 to vector<16xf32>
          %select_n3A_429 = arith.select %eq3A_312, %broadcast_in_dim3A_428, %get3A_426 : vector<16xf32>
          %add3A_430 = arith.constant 48 : i32
          %add3A_431 = arith.addi %mul3A_411, %add3A_430 : i32
          %get3A_432 = arith.index_cast %add3A_431 : i32 to index
          %get3A_433 = tpu.vector_load %arg4[%get3A_432] {strides = array<i32>} : memref<2176xf32, #tpu.memory_space<vmem>>, vector<16xf32>,
          %jit3A_434 = arith.constant 0.000000e+00 : f32
          %broadcast_in_dim3A_435 = vector.broadcast %jit3A_434 : f32 to vector<16xf32>
          %select_n3A_436 = arith.select %eq3A_312, %broadcast_in_dim3A_435, %get3A_433 : vector<16xf32>
          %add3A_437 = arith.constant 64 : i32
          %add3A_438 = arith.addi %mul3A_411, %add3A_437 : i32
          %get3A_439 = arith.index_cast %add3A_438 : i32 to index
          %get3A_440 = tpu.vector_load %arg4[%get3A_439] {strides = array<i32>} : memref<2176xf32, #tpu.memory_space<vmem>>, vector<16xf32>,
          %jit3A_441 = arith.constant 0.000000e+00 : f32
          %broadcast_in_dim3A_442 = vector.broadcast %jit3A_441 : f32 to vector<16xf32>
          %select_n3A_443 = arith.select %eq3A_312, %broadcast_in_dim3A_442, %get3A_440 : vector<16xf32>
          %add3A_444 = arith.constant 80 : i32
          %add3A_445 = arith.addi %mul3A_411, %add3A_444 : i32
          %get3A_446 = arith.index_cast %add3A_445 : i32 to index
          %get3A_447 = tpu.vector_load %arg4[%get3A_446] {strides = array<i32>} : memref<2176xf32, #tpu.memory_space<vmem>>, vector<16xf32>,
          %jit3A_448 = arith.constant 0.000000e+00 : f32
          %broadcast_in_dim3A_449 = vector.broadcast %jit3A_448 : f32 to vector<16xf32>
          %select_n3A_450 = arith.select %eq3A_312, %broadcast_in_dim3A_449, %get3A_447 : vector<16xf32>
          %add3A_451 = arith.constant 96 : i32
          %add3A_452 = arith.addi %mul3A_411, %add3A_451 : i32
          %get3A_453 = arith.index_cast %add3A_452 : i32 to index
          %get3A_454 = tpu.vector_load %arg4[%get3A_453] {strides = array<i32>} : memref<2176xf32, #tpu.memory_space<vmem>>, vector<16xf32>,
          %jit3A_455 = arith.constant 0.000000e+00 : f32
          %broadcast_in_dim3A_456 = vector.broadcast %jit3A_455 : f32 to vector<16xf32>
          %select_n3A_457 = arith.select %eq3A_312, %broadcast_in_dim3A_456, %get3A_454 : vector<16xf32>
          %add3A_458 = arith.constant 112 : i32
          %add3A_459 = arith.addi %mul3A_411, %add3A_458 : i32
          %get3A_460 = arith.index_cast %add3A_459 : i32 to index
          %get3A_461 = tpu.vector_load %arg4[%get3A_460] {strides = array<i32>} : memref<2176xf32, #tpu.memory_space<vmem>>, vector<16xf32>,
          %jit3A_462 = arith.constant 0.000000e+00 : f32
          %broadcast_in_dim3A_463 = vector.broadcast %jit3A_462 : f32 to vector<16xf32>
          %select_n3A_464 = arith.select %eq3A_312, %broadcast_in_dim3A_463, %get3A_461 : vector<16xf32>
          %add3A_465 = arith.constant 128 : i32
          %add3A_466 = arith.addi %mul3A_411, %add3A_465 : i32
          %get3A_467 = arith.index_cast %add3A_466 : i32 to index
          %get3A_468 = tpu.vector_load %arg4[%get3A_467] {strides = array<i32>} : memref<2176xf32, #tpu.memory_space<vmem>>, vector<16xf32>,
          %jit3A_469 = arith.constant 0.000000e+00 : f32
          %broadcast_in_dim3A_470 = vector.broadcast %jit3A_469 : f32 to vector<16xf32>
          %select_n3A_471 = arith.select %eq3A_312, %broadcast_in_dim3A_470, %get3A_468 : vector<16xf32>
          %add3A_472 = arith.constant 144 : i32
          %add3A_473 = arith.addi %mul3A_411, %add3A_472 : i32
          %get3A_474 = arith.index_cast %add3A_473 : i32 to index
          %get3A_475 = tpu.vector_load %arg4[%get3A_474] {strides = array<i32>} : memref<2176xf32, #tpu.memory_space<vmem>>, vector<16xf32>,
          %jit3A_476 = arith.constant 0.000000e+00 : f32
          %broadcast_in_dim3A_477 = vector.broadcast %jit3A_476 : f32 to vector<16xf32>
          %select_n3A_478 = arith.select %eq3A_312, %broadcast_in_dim3A_477, %get3A_475 : vector<16xf32>
          %add3A_479 = arith.constant 160 : i32
          %add3A_480 = arith.addi %mul3A_411, %add3A_479 : i32
          %get3A_481 = arith.index_cast %add3A_480 : i32 to index
          %get3A_482 = tpu.vector_load %arg4[%get3A_481] {strides = array<i32>} : memref<2176xf32, #tpu.memory_space<vmem>>, vector<16xf32>,
          %jit3A_483 = arith.constant 0.000000e+00 : f32
          %broadcast_in_dim3A_484 = vector.broadcast %jit3A_483 : f32 to vector<16xf32>
          %select_n3A_485 = arith.select %eq3A_312, %broadcast_in_dim3A_484, %get3A_482 : vector<16xf32>
          %add3A_486 = arith.constant 176 : i32
          %add3A_487 = arith.addi %mul3A_411, %add3A_486 : i32
          %get3A_488 = arith.index_cast %add3A_487 : i32 to index
          %get3A_489 = tpu.vector_load %arg4[%get3A_488] {strides = array<i32>} : memref<2176xf32, #tpu.memory_space<vmem>>, vector<16xf32>,
          %jit3A_490 = arith.constant 0.000000e+00 : f32
          %broadcast_in_dim3A_491 = vector.broadcast %jit3A_490 : f32 to vector<16xf32>
          %select_n3A_492 = arith.select %eq3A_312, %broadcast_in_dim3A_491, %get3A_489 : vector<16xf32>
          %add3A_493 = arith.constant 192 : i32
          %add3A_494 = arith.addi %mul3A_411, %add3A_493 : i32
          %get3A_495 = arith.index_cast %add3A_494 : i32 to index
          %get3A_496 = tpu.vector_load %arg4[%get3A_495] {strides = array<i32>} : memref<2176xf32, #tpu.memory_space<vmem>>, vector<16xf32>,
          %jit3A_497 = arith.constant 0.000000e+00 : f32
          %broadcast_in_dim3A_498 = vector.broadcast %jit3A_497 : f32 to vector<16xf32>
          %select_n3A_499 = arith.select %eq3A_312, %broadcast_in_dim3A_498, %get3A_496 : vector<16xf32>
          %add3A_500 = arith.constant 208 : i32
          %add3A_501 = arith.addi %mul3A_411, %add3A_500 : i32
          %get3A_502 = arith.index_cast %add3A_501 : i32 to index
          %get3A_503 = tpu.vector_load %arg4[%get3A_502] {strides = array<i32>} : memref<2176xf32, #tpu.memory_space<vmem>>, vector<16xf32>,
          %jit3A_504 = arith.constant 0.000000e+00 : f32
          %broadcast_in_dim3A_505 = vector.broadcast %jit3A_504 : f32 to vector<16xf32>
          %select_n3A_506 = arith.select %eq3A_312, %broadcast_in_dim3A_505, %get3A_503 : vector<16xf32>
          %add3A_507 = arith.constant 224 : i32
          %add3A_508 = arith.addi %mul3A_411, %add3A_507 : i32
          %get3A_509 = arith.index_cast %add3A_508 : i32 to index
          %get3A_510 = tpu.vector_load %arg4[%get3A_509] {strides = array<i32>} : memref<2176xf32, #tpu.memory_space<vmem>>, vector<16xf32>,
          %jit3A_511 = arith.constant 0.000000e+00 : f32
          %broadcast_in_dim3A_512 = vector.broadcast %jit3A_511 : f32 to vector<16xf32>
          %select_n3A_513 = arith.select %eq3A_312, %broadcast_in_dim3A_512, %get3A_510 : vector<16xf32>
          %add3A_514 = arith.constant 240 : i32
          %add3A_515 = arith.addi %mul3A_411, %add3A_514 : i32
          %get3A_516 = arith.index_cast %add3A_515 : i32 to index
          %get3A_517 = tpu.vector_load %arg4[%get3A_516] {strides = array<i32>} : memref<2176xf32, #tpu.memory_space<vmem>>, vector<16xf32>,
          %jit3A_518 = arith.constant 0.000000e+00 : f32
          %broadcast_in_dim3A_519 = vector.broadcast %jit3A_518 : f32 to vector<16xf32>
          %select_n3A_520 = arith.select %eq3A_312, %broadcast_in_dim3A_519, %get3A_517 : vector<16xf32>
          %add3A_521 = arith.constant 256 : i32
          %add3A_522 = arith.addi %mul3A_411, %add3A_521 : i32
          %get3A_523 = arith.index_cast %add3A_522 : i32 to index
          %get3A_524 = tpu.vector_load %arg4[%get3A_523] {strides = array<i32>} : memref<2176xf32, #tpu.memory_space<vmem>>, vector<16xf32>,
          %jit3A_525 = arith.constant 0.000000e+00 : f32
          %broadcast_in_dim3A_526 = vector.broadcast %jit3A_525 : f32 to vector<16xf32>
          %select_n3A_527 = arith.select %eq3A_312, %broadcast_in_dim3A_526, %get3A_524 : vector<16xf32>
          %broadcast_in_dim3A_528 = arith.constant 0.000000e+00 : f32
          %broadcast_in_dim3A_529 = vector.broadcast %broadcast_in_dim3A_528 : f32 to vector<16xf32>
          %broadcast_in_dim3A_530 = arith.constant 0.000000e+00 : f32
          %broadcast_in_dim3A_531 = vector.broadcast %broadcast_in_dim3A_530 : f32 to vector<16xf32>
          %broadcast_in_dim3A_532 = arith.constant 0.000000e+00 : f32
          %broadcast_in_dim3A_533 = vector.broadcast %broadcast_in_dim3A_532 : f32 to vector<16xf32>
          %scan3A_534 = arith.constant 0 : i32
          %scan3A_535 = arith.constant 25 : i32
          %scan3A_536 = arith.addi %scan3A_534, %scan3A_535 : i32
          %scan3A_537 = arith.constant 1 : i32
          %scan3A_538:20 = scf.for %scan3A_650 = %scan3A_534 to %scan3A_536 step %scan3A_537 iter_args(%scan3A_651 = %select_n3A_415, %scan3A_652 = %select_n3A_422, %scan3A_653 = %select_n3A_429, %scan3A_654 = %select_n3A_436, %scan3A_655 = %select_n3A_443, %scan3A_656 = %select_n3A_450, %scan3A_657 = %select_n3A_457, %scan3A_658 = %select_n3A_464, %scan3A_659 = %select_n3A_471, %scan3A_660 = %select_n3A_478, %scan3A_661 = %select_n3A_485, %scan3A_662 = %select_n3A_492, %scan3A_663 = %select_n3A_499, %scan3A_664 = %select_n3A_506, %scan3A_665 = %select_n3A_513, %scan3A_666 = %select_n3A_520, %scan3A_667 = %select_n3A_527, %scan3A_668 = %broadcast_in_dim3A_529, %scan3A_669 = %broadcast_in_dim3A_531, %scan3A_670 = %broadcast_in_dim3A_533) -> (vector<16xf32>, vector<16xf32>, vector<16xf32>, vector<16xf32>, vector<16xf32>, vector<16xf32>, vector<16xf32>, vector<16xf32>, vector<16xf32>, vector<16xf32>, vector<16xf32>, vector<16xf32>, vector<16xf32>, vector<16xf32>, vector<16xf32>, vector<16xf32>, vector<16xf32>, vector<16xf32>, vector<16xf32>, vector<16xf32>)  : i32 {
            %mul3A_671 = arith.constant 16 : i32
            %mul3A_672 = arith.muli %scan3A_650, %mul3A_671 : i32
            %add3A_673 = arith.constant 0 : i32
            %add3A_674 = arith.addi %mul3A_672, %add3A_673 : i32
            %mul3A_675 = arith.constant 16 : i32
            %mul3A_676 = arith.muli %add3A_409, %mul3A_675 : i32
            %get3A_677 = arith.constant 0 : i32
            %get3A_678 = arith.constant 0 : i32
            %get3A_679 = tpu.memref_slice %run_scoped3A[%rem3A_306, %get3A_677, %get3A_678] : memref<2x400x128xf32, #tpu.memory_space<vmem>> -> memref<1x400x128xf32, #tpu.memory_space<vmem>>
            %get3A_680 = tpu.memref_squeeze %get3A_679 : memref<1x400x128xf32, #tpu.memory_space<vmem>> -> memref<400x128xf32, #tpu.memory_space<vmem>>
            %get3A_681 = arith.index_cast %add3A_674 : i32 to index
            %get3A_682 = arith.index_cast %mul3A_676 : i32 to index
            %get3A_683 = tpu.vector_load %get3A_680[%get3A_681, %get3A_682] {strides = array<i32>} : memref<400x128xf32, #tpu.memory_space<vmem>>, vector<16xf32>,
            %add3A_684 = arith.addf %scan3A_651, %get3A_683 : vector<16xf32>
            %mul3A_685 = arith.mulf %get3A_683, %get3A_683 : vector<16xf32>
            %add3A_686 = arith.addf %scan3A_667, %mul3A_685 : vector<16xf32>
            %add3A_687 = arith.constant 1 : i32
            %add3A_688 = arith.addi %mul3A_672, %add3A_687 : i32
            %mul3A_689 = arith.constant 16 : i32
            %mul3A_690 = arith.muli %add3A_409, %mul3A_689 : i32
            %get3A_691 = arith.constant 0 : i32
            %get3A_692 = arith.constant 0 : i32
            %get3A_693 = tpu.memref_slice %run_scoped3A[%rem3A_306, %get3A_691, %get3A_692] : memref<2x400x128xf32, #tpu.memory_space<vmem>> -> memref<1x400x128xf32, #tpu.memory_space<vmem>>
            %get3A_694 = tpu.memref_squeeze %get3A_693 : memref<1x400x128xf32, #tpu.memory_space<vmem>> -> memref<400x128xf32, #tpu.memory_space<vmem>>
            %get3A_695 = arith.index_cast %add3A_688 : i32 to index
            %get3A_696 = arith.index_cast %mul3A_690 : i32 to index
            %get3A_697 = tpu.vector_load %get3A_694[%get3A_695, %get3A_696] {strides = array<i32>} : memref<400x128xf32, #tpu.memory_space<vmem>>, vector<16xf32>,
            %add3A_698 = arith.addf %scan3A_652, %get3A_697 : vector<16xf32>
            %mul3A_699 = arith.mulf %get3A_697, %get3A_697 : vector<16xf32>
            %add3A_700 = arith.addf %scan3A_668, %mul3A_699 : vector<16xf32>
            %add3A_701 = arith.constant 2 : i32
            %add3A_702 = arith.addi %mul3A_672, %add3A_701 : i32
            %mul3A_703 = arith.constant 16 : i32
            %mul3A_704 = arith.muli %add3A_409, %mul3A_703 : i32
            %get3A_705 = arith.constant 0 : i32
            %get3A_706 = arith.constant 0 : i32
            %get3A_707 = tpu.memref_slice %run_scoped3A[%rem3A_306, %get3A_705, %get3A_706] : memref<2x400x128xf32, #tpu.memory_space<vmem>> -> memref<1x400x128xf32, #tpu.memory_space<vmem>>
            %get3A_708 = tpu.memref_squeeze %get3A_707 : memref<1x400x128xf32, #tpu.memory_space<vmem>> -> memref<400x128xf32, #tpu.memory_space<vmem>>
            %get3A_709 = arith.index_cast %add3A_702 : i32 to index
            %get3A_710 = arith.index_cast %mul3A_704 : i32 to index
            %get3A_711 = tpu.vector_load %get3A_708[%get3A_709, %get3A_710] {strides = array<i32>} : memref<400x128xf32, #tpu.memory_space<vmem>>, vector<16xf32>,
            %add3A_712 = arith.addf %scan3A_653, %get3A_711 : vector<16xf32>
            %mul3A_713 = arith.mulf %get3A_711, %get3A_711 : vector<16xf32>
            %add3A_714 = arith.addf %scan3A_669, %mul3A_713 : vector<16xf32>
            %add3A_715 = arith.constant 3 : i32
            %add3A_716 = arith.addi %mul3A_672, %add3A_715 : i32
            %mul3A_717 = arith.constant 16 : i32
            %mul3A_718 = arith.muli %add3A_409, %mul3A_717 : i32
            %get3A_719 = arith.constant 0 : i32
            %get3A_720 = arith.constant 0 : i32
            %get3A_721 = tpu.memref_slice %run_scoped3A[%rem3A_306, %get3A_719, %get3A_720] : memref<2x400x128xf32, #tpu.memory_space<vmem>> -> memref<1x400x128xf32, #tpu.memory_space<vmem>>
            %get3A_722 = tpu.memref_squeeze %get3A_721 : memref<1x400x128xf32, #tpu.memory_space<vmem>> -> memref<400x128xf32, #tpu.memory_space<vmem>>
            %get3A_723 = arith.index_cast %add3A_716 : i32 to index
            %get3A_724 = arith.index_cast %mul3A_718 : i32 to index
            %get3A_725 = tpu.vector_load %get3A_722[%get3A_723, %get3A_724] {strides = array<i32>} : memref<400x128xf32, #tpu.memory_space<vmem>>, vector<16xf32>,
            %add3A_726 = arith.addf %scan3A_654, %get3A_725 : vector<16xf32>
            %mul3A_727 = arith.mulf %get3A_725, %get3A_725 : vector<16xf32>
            %add3A_728 = arith.addf %scan3A_670, %mul3A_727 : vector<16xf32>
            %add3A_729 = arith.constant 4 : i32
            %add3A_730 = arith.addi %mul3A_672, %add3A_729 : i32
            %mul3A_731 = arith.constant 16 : i32
            %mul3A_732 = arith.muli %add3A_409, %mul3A_731 : i32
            %get3A_733 = arith.constant 0 : i32
            %get3A_734 = arith.constant 0 : i32
            %get3A_735 = tpu.memref_slice %run_scoped3A[%rem3A_306, %get3A_733, %get3A_734] : memref<2x400x128xf32, #tpu.memory_space<vmem>> -> memref<1x400x128xf32, #tpu.memory_space<vmem>>
            %get3A_736 = tpu.memref_squeeze %get3A_735 : memref<1x400x128xf32, #tpu.memory_space<vmem>> -> memref<400x128xf32, #tpu.memory_space<vmem>>
            %get3A_737 = arith.index_cast %add3A_730 : i32 to index
            %get3A_738 = arith.index_cast %mul3A_732 : i32 to index
            %get3A_739 = tpu.vector_load %get3A_736[%get3A_737, %get3A_738] {strides = array<i32>} : memref<400x128xf32, #tpu.memory_space<vmem>>, vector<16xf32>,
            %add3A_740 = arith.addf %scan3A_655, %get3A_739 : vector<16xf32>
            %mul3A_741 = arith.mulf %get3A_739, %get3A_739 : vector<16xf32>
            %add3A_742 = arith.addf %add3A_686, %mul3A_741 : vector<16xf32>
            %add3A_743 = arith.constant 5 : i32
            %add3A_744 = arith.addi %mul3A_672, %add3A_743 : i32
            %mul3A_745 = arith.constant 16 : i32
            %mul3A_746 = arith.muli %add3A_409, %mul3A_745 : i32
            %get3A_747 = arith.constant 0 : i32
            %get3A_748 = arith.constant 0 : i32
            %get3A_749 = tpu.memref_slice %run_scoped3A[%rem3A_306, %get3A_747, %get3A_748] : memref<2x400x128xf32, #tpu.memory_space<vmem>> -> memref<1x400x128xf32, #tpu.memory_space<vmem>>
            %get3A_750 = tpu.memref_squeeze %get3A_749 : memref<1x400x128xf32, #tpu.memory_space<vmem>> -> memref<400x128xf32, #tpu.memory_space<vmem>>
            %get3A_751 = arith.index_cast %add3A_744 : i32 to index
            %get3A_752 = arith.index_cast %mul3A_746 : i32 to index
            %get3A_753 = tpu.vector_load %get3A_750[%get3A_751, %get3A_752] {strides = array<i32>} : memref<400x128xf32, #tpu.memory_space<vmem>>, vector<16xf32>,
            %add3A_754 = arith.addf %scan3A_656, %get3A_753 : vector<16xf32>
            %mul3A_755 = arith.mulf %get3A_753, %get3A_753 : vector<16xf32>
            %add3A_756 = arith.addf %add3A_700, %mul3A_755 : vector<16xf32>
            %add3A_757 = arith.constant 6 : i32
            %add3A_758 = arith.addi %mul3A_672, %add3A_757 : i32
            %mul3A_759 = arith.constant 16 : i32
            %mul3A_760 = arith.muli %add3A_409, %mul3A_759 : i32
            %get3A_761 = arith.constant 0 : i32
            %get3A_762 = arith.constant 0 : i32
            %get3A_763 = tpu.memref_slice %run_scoped3A[%rem3A_306, %get3A_761, %get3A_762] : memref<2x400x128xf32, #tpu.memory_space<vmem>> -> memref<1x400x128xf32, #tpu.memory_space<vmem>>
            %get3A_764 = tpu.memref_squeeze %get3A_763 : memref<1x400x128xf32, #tpu.memory_space<vmem>> -> memref<400x128xf32, #tpu.memory_space<vmem>>
            %get3A_765 = arith.index_cast %add3A_758 : i32 to index
            %get3A_766 = arith.index_cast %mul3A_760 : i32 to index
            %get3A_767 = tpu.vector_load %get3A_764[%get3A_765, %get3A_766] {strides = array<i32>} : memref<400x128xf32, #tpu.memory_space<vmem>>, vector<16xf32>,
            %add3A_768 = arith.addf %scan3A_657, %get3A_767 : vector<16xf32>
            %mul3A_769 = arith.mulf %get3A_767, %get3A_767 : vector<16xf32>
            %add3A_770 = arith.addf %add3A_714, %mul3A_769 : vector<16xf32>
            %add3A_771 = arith.constant 7 : i32
            %add3A_772 = arith.addi %mul3A_672, %add3A_771 : i32
            %mul3A_773 = arith.constant 16 : i32
            %mul3A_774 = arith.muli %add3A_409, %mul3A_773 : i32
            %get3A_775 = arith.constant 0 : i32
            %get3A_776 = arith.constant 0 : i32
            %get3A_777 = tpu.memref_slice %run_scoped3A[%rem3A_306, %get3A_775, %get3A_776] : memref<2x400x128xf32, #tpu.memory_space<vmem>> -> memref<1x400x128xf32, #tpu.memory_space<vmem>>
            %get3A_778 = tpu.memref_squeeze %get3A_777 : memref<1x400x128xf32, #tpu.memory_space<vmem>> -> memref<400x128xf32, #tpu.memory_space<vmem>>
            %get3A_779 = arith.index_cast %add3A_772 : i32 to index
            %get3A_780 = arith.index_cast %mul3A_774 : i32 to index
            %get3A_781 = tpu.vector_load %get3A_778[%get3A_779, %get3A_780] {strides = array<i32>} : memref<400x128xf32, #tpu.memory_space<vmem>>, vector<16xf32>,
            %add3A_782 = arith.addf %scan3A_658, %get3A_781 : vector<16xf32>
            %mul3A_783 = arith.mulf %get3A_781, %get3A_781 : vector<16xf32>
            %add3A_784 = arith.addf %add3A_728, %mul3A_783 : vector<16xf32>
            %add3A_785 = arith.constant 8 : i32
            %add3A_786 = arith.addi %mul3A_672, %add3A_785 : i32
            %mul3A_787 = arith.constant 16 : i32
            %mul3A_788 = arith.muli %add3A_409, %mul3A_787 : i32
            %get3A_789 = arith.constant 0 : i32
            %get3A_790 = arith.constant 0 : i32
            %get3A_791 = tpu.memref_slice %run_scoped3A[%rem3A_306, %get3A_789, %get3A_790] : memref<2x400x128xf32, #tpu.memory_space<vmem>> -> memref<1x400x128xf32, #tpu.memory_space<vmem>>
            %get3A_792 = tpu.memref_squeeze %get3A_791 : memref<1x400x128xf32, #tpu.memory_space<vmem>> -> memref<400x128xf32, #tpu.memory_space<vmem>>
            %get3A_793 = arith.index_cast %add3A_786 : i32 to index
            %get3A_794 = arith.index_cast %mul3A_788 : i32 to index
            %get3A_795 = tpu.vector_load %get3A_792[%get3A_793, %get3A_794] {strides = array<i32>} : memref<400x128xf32, #tpu.memory_space<vmem>>, vector<16xf32>,
            %add3A_796 = arith.addf %scan3A_659, %get3A_795 : vector<16xf32>
            %mul3A_797 = arith.mulf %get3A_795, %get3A_795 : vector<16xf32>
            %add3A_798 = arith.addf %add3A_742, %mul3A_797 : vector<16xf32>
            %add3A_799 = arith.constant 9 : i32
            %add3A_800 = arith.addi %mul3A_672, %add3A_799 : i32
            %mul3A_801 = arith.constant 16 : i32
            %mul3A_802 = arith.muli %add3A_409, %mul3A_801 : i32
            %get3A_803 = arith.constant 0 : i32
            %get3A_804 = arith.constant 0 : i32
            %get3A_805 = tpu.memref_slice %run_scoped3A[%rem3A_306, %get3A_803, %get3A_804] : memref<2x400x128xf32, #tpu.memory_space<vmem>> -> memref<1x400x128xf32, #tpu.memory_space<vmem>>
            %get3A_806 = tpu.memref_squeeze %get3A_805 : memref<1x400x128xf32, #tpu.memory_space<vmem>> -> memref<400x128xf32, #tpu.memory_space<vmem>>
            %get3A_807 = arith.index_cast %add3A_800 : i32 to index
            %get3A_808 = arith.index_cast %mul3A_802 : i32 to index
            %get3A_809 = tpu.vector_load %get3A_806[%get3A_807, %get3A_808] {strides = array<i32>} : memref<400x128xf32, #tpu.memory_space<vmem>>, vector<16xf32>,
            %add3A_810 = arith.addf %scan3A_660, %get3A_809 : vector<16xf32>
            %mul3A_811 = arith.mulf %get3A_809, %get3A_809 : vector<16xf32>
            %add3A_812 = arith.addf %add3A_756, %mul3A_811 : vector<16xf32>
            %add3A_813 = arith.constant 10 : i32
            %add3A_814 = arith.addi %mul3A_672, %add3A_813 : i32
            %mul3A_815 = arith.constant 16 : i32
            %mul3A_816 = arith.muli %add3A_409, %mul3A_815 : i32
            %get3A_817 = arith.constant 0 : i32
            %get3A_818 = arith.constant 0 : i32
            %get3A_819 = tpu.memref_slice %run_scoped3A[%rem3A_306, %get3A_817, %get3A_818] : memref<2x400x128xf32, #tpu.memory_space<vmem>> -> memref<1x400x128xf32, #tpu.memory_space<vmem>>
            %get3A_820 = tpu.memref_squeeze %get3A_819 : memref<1x400x128xf32, #tpu.memory_space<vmem>> -> memref<400x128xf32, #tpu.memory_space<vmem>>
            %get3A_821 = arith.index_cast %add3A_814 : i32 to index
            %get3A_822 = arith.index_cast %mul3A_816 : i32 to index
            %get3A_823 = tpu.vector_load %get3A_820[%get3A_821, %get3A_822] {strides = array<i32>} : memref<400x128xf32, #tpu.memory_space<vmem>>, vector<16xf32>,
            %add3A_824 = arith.addf %scan3A_661, %get3A_823 : vector<16xf32>
            %mul3A_825 = arith.mulf %get3A_823, %get3A_823 : vector<16xf32>
            %add3A_826 = arith.addf %add3A_770, %mul3A_825 : vector<16xf32>
            %add3A_827 = arith.constant 11 : i32
            %add3A_828 = arith.addi %mul3A_672, %add3A_827 : i32
            %mul3A_829 = arith.constant 16 : i32
            %mul3A_830 = arith.muli %add3A_409, %mul3A_829 : i32
            %get3A_831 = arith.constant 0 : i32
            %get3A_832 = arith.constant 0 : i32
            %get3A_833 = tpu.memref_slice %run_scoped3A[%rem3A_306, %get3A_831, %get3A_832] : memref<2x400x128xf32, #tpu.memory_space<vmem>> -> memref<1x400x128xf32, #tpu.memory_space<vmem>>
            %get3A_834 = tpu.memref_squeeze %get3A_833 : memref<1x400x128xf32, #tpu.memory_space<vmem>> -> memref<400x128xf32, #tpu.memory_space<vmem>>
            %get3A_835 = arith.index_cast %add3A_828 : i32 to index
            %get3A_836 = arith.index_cast %mul3A_830 : i32 to index
            %get3A_837 = tpu.vector_load %get3A_834[%get3A_835, %get3A_836] {strides = array<i32>} : memref<400x128xf32, #tpu.memory_space<vmem>>, vector<16xf32>,
            %add3A_838 = arith.addf %scan3A_662, %get3A_837 : vector<16xf32>
            %mul3A_839 = arith.mulf %get3A_837, %get3A_837 : vector<16xf32>
            %add3A_840 = arith.addf %add3A_784, %mul3A_839 : vector<16xf32>
            %add3A_841 = arith.constant 12 : i32
            %add3A_842 = arith.addi %mul3A_672, %add3A_841 : i32
            %mul3A_843 = arith.constant 16 : i32
            %mul3A_844 = arith.muli %add3A_409, %mul3A_843 : i32
            %get3A_845 = arith.constant 0 : i32
            %get3A_846 = arith.constant 0 : i32
            %get3A_847 = tpu.memref_slice %run_scoped3A[%rem3A_306, %get3A_845, %get3A_846] : memref<2x400x128xf32, #tpu.memory_space<vmem>> -> memref<1x400x128xf32, #tpu.memory_space<vmem>>
            %get3A_848 = tpu.memref_squeeze %get3A_847 : memref<1x400x128xf32, #tpu.memory_space<vmem>> -> memref<400x128xf32, #tpu.memory_space<vmem>>
            %get3A_849 = arith.index_cast %add3A_842 : i32 to index
            %get3A_850 = arith.index_cast %mul3A_844 : i32 to index
            %get3A_851 = tpu.vector_load %get3A_848[%get3A_849, %get3A_850] {strides = array<i32>} : memref<400x128xf32, #tpu.memory_space<vmem>>, vector<16xf32>,
            %add3A_852 = arith.addf %scan3A_663, %get3A_851 : vector<16xf32>
            %mul3A_853 = arith.mulf %get3A_851, %get3A_851 : vector<16xf32>
            %add3A_854 = arith.addf %add3A_798, %mul3A_853 : vector<16xf32>
            %add3A_855 = arith.constant 13 : i32
            %add3A_856 = arith.addi %mul3A_672, %add3A_855 : i32
            %mul3A_857 = arith.constant 16 : i32
            %mul3A_858 = arith.muli %add3A_409, %mul3A_857 : i32
            %get3A_859 = arith.constant 0 : i32
            %get3A_860 = arith.constant 0 : i32
            %get3A_861 = tpu.memref_slice %run_scoped3A[%rem3A_306, %get3A_859, %get3A_860] : memref<2x400x128xf32, #tpu.memory_space<vmem>> -> memref<1x400x128xf32, #tpu.memory_space<vmem>>
            %get3A_862 = tpu.memref_squeeze %get3A_861 : memref<1x400x128xf32, #tpu.memory_space<vmem>> -> memref<400x128xf32, #tpu.memory_space<vmem>>
            %get3A_863 = arith.index_cast %add3A_856 : i32 to index
            %get3A_864 = arith.index_cast %mul3A_858 : i32 to index
            %get3A_865 = tpu.vector_load %get3A_862[%get3A_863, %get3A_864] {strides = array<i32>} : memref<400x128xf32, #tpu.memory_space<vmem>>, vector<16xf32>,
            %add3A_866 = arith.addf %scan3A_664, %get3A_865 : vector<16xf32>
            %mul3A_867 = arith.mulf %get3A_865, %get3A_865 : vector<16xf32>
            %add3A_868 = arith.addf %add3A_812, %mul3A_867 : vector<16xf32>
            %add3A_869 = arith.constant 14 : i32
            %add3A_870 = arith.addi %mul3A_672, %add3A_869 : i32
            %mul3A_871 = arith.constant 16 : i32
            %mul3A_872 = arith.muli %add3A_409, %mul3A_871 : i32
            %get3A_873 = arith.constant 0 : i32
            %get3A_874 = arith.constant 0 : i32
            %get3A_875 = tpu.memref_slice %run_scoped3A[%rem3A_306, %get3A_873, %get3A_874] : memref<2x400x128xf32, #tpu.memory_space<vmem>> -> memref<1x400x128xf32, #tpu.memory_space<vmem>>
            %get3A_876 = tpu.memref_squeeze %get3A_875 : memref<1x400x128xf32, #tpu.memory_space<vmem>> -> memref<400x128xf32, #tpu.memory_space<vmem>>
            %get3A_877 = arith.index_cast %add3A_870 : i32 to index
            %get3A_878 = arith.index_cast %mul3A_872 : i32 to index
            %get3A_879 = tpu.vector_load %get3A_876[%get3A_877, %get3A_878] {strides = array<i32>} : memref<400x128xf32, #tpu.memory_space<vmem>>, vector<16xf32>,
            %add3A_880 = arith.addf %scan3A_665, %get3A_879 : vector<16xf32>
            %mul3A_881 = arith.mulf %get3A_879, %get3A_879 : vector<16xf32>
            %add3A_882 = arith.addf %add3A_826, %mul3A_881 : vector<16xf32>
            %add3A_883 = arith.constant 15 : i32
            %add3A_884 = arith.addi %mul3A_672, %add3A_883 : i32
            %mul3A_885 = arith.constant 16 : i32
            %mul3A_886 = arith.muli %add3A_409, %mul3A_885 : i32
            %get3A_887 = arith.constant 0 : i32
            %get3A_888 = arith.constant 0 : i32
            %get3A_889 = tpu.memref_slice %run_scoped3A[%rem3A_306, %get3A_887, %get3A_888] : memref<2x400x128xf32, #tpu.memory_space<vmem>> -> memref<1x400x128xf32, #tpu.memory_space<vmem>>
            %get3A_890 = tpu.memref_squeeze %get3A_889 : memref<1x400x128xf32, #tpu.memory_space<vmem>> -> memref<400x128xf32, #tpu.memory_space<vmem>>
            %get3A_891 = arith.index_cast %add3A_884 : i32 to index
            %get3A_892 = arith.index_cast %mul3A_886 : i32 to index
            %get3A_893 = tpu.vector_load %get3A_890[%get3A_891, %get3A_892] {strides = array<i32>} : memref<400x128xf32, #tpu.memory_space<vmem>>, vector<16xf32>,
            %add3A_894 = arith.addf %scan3A_666, %get3A_893 : vector<16xf32>
            %mul3A_895 = arith.mulf %get3A_893, %get3A_893 : vector<16xf32>
            %add3A_896 = arith.addf %add3A_840, %mul3A_895 : vector<16xf32>
            scf.yield %add3A_684, %add3A_698, %add3A_712, %add3A_726, %add3A_740, %add3A_754, %add3A_768, %add3A_782, %add3A_796, %add3A_810, %add3A_824, %add3A_838, %add3A_852, %add3A_866, %add3A_880, %add3A_894, %add3A_854, %add3A_868, %add3A_882, %add3A_896 : vector<16xf32>, vector<16xf32>, vector<16xf32>, vector<16xf32>, vector<16xf32>, vector<16xf32>, vector<16xf32>, vector<16xf32>, vector<16xf32>, vector<16xf32>, vector<16xf32>, vector<16xf32>, vector<16xf32>, vector<16xf32>, vector<16xf32>, vector<16xf32>, vector<16xf32>, vector<16xf32>, vector<16xf32>, vector<16xf32>
          }
          %scan3A_539 = arith.constant 25 : i32
          %add3A_540 = arith.addf %scan3A_538#16, %scan3A_538#17 : vector<16xf32>
          %add3A_541 = arith.addf %scan3A_538#18, %scan3A_538#19 : vector<16xf32>
          %add3A_542 = arith.addf %add3A_540, %add3A_541 : vector<16xf32>
          %add3A_543 = arith.constant 0 : i32
          %add3A_544 = arith.addi %mul3A_411, %add3A_543 : i32
          %swap3A = arith.index_cast %add3A_544 : i32 to index
          %swap3A_545 = tpu.vector_load %arg4[%swap3A] {strides = array<i32>} : memref<2176xf32, #tpu.memory_space<vmem>>, vector<16xf32>,
          tpu.vector_store %arg4[%swap3A], %scan3A_538#0 {strides = array<i32>} : memref<2176xf32, #tpu.memory_space<vmem>>, vector<16xf32>,
          %add3A_546 = arith.constant 16 : i32
          %add3A_547 = arith.addi %mul3A_411, %add3A_546 : i32
          %swap3A_548 = arith.index_cast %add3A_547 : i32 to index
          %swap3A_549 = tpu.vector_load %arg4[%swap3A_548] {strides = array<i32>} : memref<2176xf32, #tpu.memory_space<vmem>>, vector<16xf32>,
          tpu.vector_store %arg4[%swap3A_548], %scan3A_538#1 {strides = array<i32>} : memref<2176xf32, #tpu.memory_space<vmem>>, vector<16xf32>,
          %add3A_550 = arith.constant 32 : i32
          %add3A_551 = arith.addi %mul3A_411, %add3A_550 : i32
          %swap3A_552 = arith.index_cast %add3A_551 : i32 to index
          %swap3A_553 = tpu.vector_load %arg4[%swap3A_552] {strides = array<i32>} : memref<2176xf32, #tpu.memory_space<vmem>>, vector<16xf32>,
          tpu.vector_store %arg4[%swap3A_552], %scan3A_538#2 {strides = array<i32>} : memref<2176xf32, #tpu.memory_space<vmem>>, vector<16xf32>,
          %add3A_554 = arith.constant 48 : i32
          %add3A_555 = arith.addi %mul3A_411, %add3A_554 : i32
          %swap3A_556 = arith.index_cast %add3A_555 : i32 to index
          %swap3A_557 = tpu.vector_load %arg4[%swap3A_556] {strides = array<i32>} : memref<2176xf32, #tpu.memory_space<vmem>>, vector<16xf32>,
          tpu.vector_store %arg4[%swap3A_556], %scan3A_538#3 {strides = array<i32>} : memref<2176xf32, #tpu.memory_space<vmem>>, vector<16xf32>,
          %add3A_558 = arith.constant 64 : i32
          %add3A_559 = arith.addi %mul3A_411, %add3A_558 : i32
          %swap3A_560 = arith.index_cast %add3A_559 : i32 to index
          %swap3A_561 = tpu.vector_load %arg4[%swap3A_560] {strides = array<i32>} : memref<2176xf32, #tpu.memory_space<vmem>>, vector<16xf32>,
          tpu.vector_store %arg4[%swap3A_560], %scan3A_538#4 {strides = array<i32>} : memref<2176xf32, #tpu.memory_space<vmem>>, vector<16xf32>,
          %add3A_562 = arith.constant 80 : i32
          %add3A_563 = arith.addi %mul3A_411, %add3A_562 : i32
          %swap3A_564 = arith.index_cast %add3A_563 : i32 to index
          %swap3A_565 = tpu.vector_load %arg4[%swap3A_564] {strides = array<i32>} : memref<2176xf32, #tpu.memory_space<vmem>>, vector<16xf32>,
          tpu.vector_store %arg4[%swap3A_564], %scan3A_538#5 {strides = array<i32>} : memref<2176xf32, #tpu.memory_space<vmem>>, vector<16xf32>,
          %add3A_566 = arith.constant 96 : i32
          %add3A_567 = arith.addi %mul3A_411, %add3A_566 : i32
          %swap3A_568 = arith.index_cast %add3A_567 : i32 to index
          %swap3A_569 = tpu.vector_load %arg4[%swap3A_568] {strides = array<i32>} : memref<2176xf32, #tpu.memory_space<vmem>>, vector<16xf32>,
          tpu.vector_store %arg4[%swap3A_568], %scan3A_538#6 {strides = array<i32>} : memref<2176xf32, #tpu.memory_space<vmem>>, vector<16xf32>,
          %add3A_570 = arith.constant 112 : i32
          %add3A_571 = arith.addi %mul3A_411, %add3A_570 : i32
          %swap3A_572 = arith.index_cast %add3A_571 : i32 to index
          %swap3A_573 = tpu.vector_load %arg4[%swap3A_572] {strides = array<i32>} : memref<2176xf32, #tpu.memory_space<vmem>>, vector<16xf32>,
          tpu.vector_store %arg4[%swap3A_572], %scan3A_538#7 {strides = array<i32>} : memref<2176xf32, #tpu.memory_space<vmem>>, vector<16xf32>,
          %add3A_574 = arith.constant 128 : i32
          %add3A_575 = arith.addi %mul3A_411, %add3A_574 : i32
          %swap3A_576 = arith.index_cast %add3A_575 : i32 to index
          %swap3A_577 = tpu.vector_load %arg4[%swap3A_576] {strides = array<i32>} : memref<2176xf32, #tpu.memory_space<vmem>>, vector<16xf32>,
          tpu.vector_store %arg4[%swap3A_576], %scan3A_538#8 {strides = array<i32>} : memref<2176xf32, #tpu.memory_space<vmem>>, vector<16xf32>,
          %add3A_578 = arith.constant 144 : i32
          %add3A_579 = arith.addi %mul3A_411, %add3A_578 : i32
          %swap3A_580 = arith.index_cast %add3A_579 : i32 to index
          %swap3A_581 = tpu.vector_load %arg4[%swap3A_580] {strides = array<i32>} : memref<2176xf32, #tpu.memory_space<vmem>>, vector<16xf32>,
          tpu.vector_store %arg4[%swap3A_580], %scan3A_538#9 {strides = array<i32>} : memref<2176xf32, #tpu.memory_space<vmem>>, vector<16xf32>,
          %add3A_582 = arith.constant 160 : i32
          %add3A_583 = arith.addi %mul3A_411, %add3A_582 : i32
          %swap3A_584 = arith.index_cast %add3A_583 : i32 to index
          %swap3A_585 = tpu.vector_load %arg4[%swap3A_584] {strides = array<i32>} : memref<2176xf32, #tpu.memory_space<vmem>>, vector<16xf32>,
          tpu.vector_store %arg4[%swap3A_584], %scan3A_538#10 {strides = array<i32>} : memref<2176xf32, #tpu.memory_space<vmem>>, vector<16xf32>,
          %add3A_586 = arith.constant 176 : i32
          %add3A_587 = arith.addi %mul3A_411, %add3A_586 : i32
          %swap3A_588 = arith.index_cast %add3A_587 : i32 to index
          %swap3A_589 = tpu.vector_load %arg4[%swap3A_588] {strides = array<i32>} : memref<2176xf32, #tpu.memory_space<vmem>>, vector<16xf32>,
          tpu.vector_store %arg4[%swap3A_588], %scan3A_538#11 {strides = array<i32>} : memref<2176xf32, #tpu.memory_space<vmem>>, vector<16xf32>,
          %add3A_590 = arith.constant 192 : i32
          %add3A_591 = arith.addi %mul3A_411, %add3A_590 : i32
          %swap3A_592 = arith.index_cast %add3A_591 : i32 to index
          %swap3A_593 = tpu.vector_load %arg4[%swap3A_592] {strides = array<i32>} : memref<2176xf32, #tpu.memory_space<vmem>>, vector<16xf32>,
          tpu.vector_store %arg4[%swap3A_592], %scan3A_538#12 {strides = array<i32>} : memref<2176xf32, #tpu.memory_space<vmem>>, vector<16xf32>,
          %add3A_594 = arith.constant 208 : i32
          %add3A_595 = arith.addi %mul3A_411, %add3A_594 : i32
          %swap3A_596 = arith.index_cast %add3A_595 : i32 to index
          %swap3A_597 = tpu.vector_load %arg4[%swap3A_596] {strides = array<i32>} : memref<2176xf32, #tpu.memory_space<vmem>>, vector<16xf32>,
          tpu.vector_store %arg4[%swap3A_596], %scan3A_538#13 {strides = array<i32>} : memref<2176xf32, #tpu.memory_space<vmem>>, vector<16xf32>,
          %add3A_598 = arith.constant 224 : i32
          %add3A_599 = arith.addi %mul3A_411, %add3A_598 : i32
          %swap3A_600 = arith.index_cast %add3A_599 : i32 to index
          %swap3A_601 = tpu.vector_load %arg4[%swap3A_600] {strides = array<i32>} : memref<2176xf32, #tpu.memory_space<vmem>>, vector<16xf32>,
          tpu.vector_store %arg4[%swap3A_600], %scan3A_538#14 {strides = array<i32>} : memref<2176xf32, #tpu.memory_space<vmem>>, vector<16xf32>,
          %add3A_602 = arith.constant 240 : i32
          %add3A_603 = arith.addi %mul3A_411, %add3A_602 : i32
          %swap3A_604 = arith.index_cast %add3A_603 : i32 to index
          %swap3A_605 = tpu.vector_load %arg4[%swap3A_604] {strides = array<i32>} : memref<2176xf32, #tpu.memory_space<vmem>>, vector<16xf32>,
          tpu.vector_store %arg4[%swap3A_604], %scan3A_538#15 {strides = array<i32>} : memref<2176xf32, #tpu.memory_space<vmem>>, vector<16xf32>,
          %add3A_606 = arith.constant 256 : i32
          %add3A_607 = arith.addi %mul3A_411, %add3A_606 : i32
          %swap3A_608 = arith.index_cast %add3A_607 : i32 to index
          %swap3A_609 = tpu.vector_load %arg4[%swap3A_608] {strides = array<i32>} : memref<2176xf32, #tpu.memory_space<vmem>>, vector<16xf32>,
          tpu.vector_store %arg4[%swap3A_608], %add3A_542 {strides = array<i32>} : memref<2176xf32, #tpu.memory_space<vmem>>, vector<16xf32>,
          %mul3A_610 = arith.mulf %scan3A_538#0, %scan3A_538#0 : vector<16xf32>
          %mul3A_611 = arith.mulf %scan3A_538#1, %scan3A_538#1 : vector<16xf32>
          %add3A_612 = arith.addf %mul3A_610, %mul3A_611 : vector<16xf32>
          %mul3A_613 = arith.mulf %scan3A_538#2, %scan3A_538#2 : vector<16xf32>
          %add3A_614 = arith.addf %add3A_612, %mul3A_613 : vector<16xf32>
          %mul3A_615 = arith.mulf %scan3A_538#3, %scan3A_538#3 : vector<16xf32>
          %add3A_616 = arith.addf %add3A_614, %mul3A_615 : vector<16xf32>
          %mul3A_617 = arith.mulf %scan3A_538#4, %scan3A_538#4 : vector<16xf32>
          %add3A_618 = arith.addf %add3A_616, %mul3A_617 : vector<16xf32>
          %mul3A_619 = arith.mulf %scan3A_538#5, %scan3A_538#5 : vector<16xf32>
          %add3A_620 = arith.addf %add3A_618, %mul3A_619 : vector<16xf32>
          %mul3A_621 = arith.mulf %scan3A_538#6, %scan3A_538#6 : vector<16xf32>
          %add3A_622 = arith.addf %add3A_620, %mul3A_621 : vector<16xf32>
          %mul3A_623 = arith.mulf %scan3A_538#7, %scan3A_538#7 : vector<16xf32>
          %add3A_624 = arith.addf %add3A_622, %mul3A_623 : vector<16xf32>
          %mul3A_625 = arith.mulf %scan3A_538#8, %scan3A_538#8 : vector<16xf32>
          %add3A_626 = arith.addf %add3A_624, %mul3A_625 : vector<16xf32>
          %mul3A_627 = arith.mulf %scan3A_538#9, %scan3A_538#9 : vector<16xf32>
          %add3A_628 = arith.addf %add3A_626, %mul3A_627 : vector<16xf32>
          %mul3A_629 = arith.mulf %scan3A_538#10, %scan3A_538#10 : vector<16xf32>
          %add3A_630 = arith.addf %add3A_628, %mul3A_629 : vector<16xf32>
          %mul3A_631 = arith.mulf %scan3A_538#11, %scan3A_538#11 : vector<16xf32>
          %add3A_632 = arith.addf %add3A_630, %mul3A_631 : vector<16xf32>
          %mul3A_633 = arith.mulf %scan3A_538#12, %scan3A_538#12 : vector<16xf32>
          %add3A_634 = arith.addf %add3A_632, %mul3A_633 : vector<16xf32>
          %mul3A_635 = arith.mulf %scan3A_538#13, %scan3A_538#13 : vector<16xf32>
          %add3A_636 = arith.addf %add3A_634, %mul3A_635 : vector<16xf32>
          %mul3A_637 = arith.mulf %scan3A_538#14, %scan3A_538#14 : vector<16xf32>
          %add3A_638 = arith.addf %add3A_636, %mul3A_637 : vector<16xf32>
          %mul3A_639 = arith.mulf %scan3A_538#15, %scan3A_538#15 : vector<16xf32>
          %add3A_640 = arith.addf %add3A_638, %mul3A_639 : vector<16xf32>
          %sub3A_641 = arith.subf %add3A_640, %add3A_542 : vector<16xf32>
          %mul3A_642 = arith.constant 5.000000e-01 : f32
          %mul3A_643 = vector.broadcast %mul3A_642 : f32 to vector<16xf32>
          %mul3A_644 = arith.mulf %sub3A_641, %mul3A_643 : vector<16xf32>
          %mul3A_645 = arith.constant 16 : i32
          %mul3A_646 = arith.muli %add3A_409, %mul3A_645 : i32
          %swap3A_647 = tpu.memref_slice %run_scoped3A_8[%mul3A_310] : memref<256xf32, #tpu.memory_space<vmem>> -> memref<128xf32, #tpu.memory_space<vmem>>
          %swap3A_648 = arith.index_cast %mul3A_646 : i32 to index
          %swap3A_649 = tpu.vector_load %swap3A_647[%swap3A_648] {strides = array<i32>} : memref<128xf32, #tpu.memory_space<vmem>>, vector<16xf32>,
          tpu.vector_store %swap3A_647[%swap3A_648], %mul3A_644 {strides = array<i32>} : memref<128xf32, #tpu.memory_space<vmem>>, vector<16xf32>,
        }
        %scan3A_317 = arith.constant 8 : i32
        "tpu.trace_stop"() : () -> ()
        %add3A_318 = arith.constant 96 : i32
        %add3A_319 = arith.addi %add3A_202, %add3A_318 : i32
        %add3A_320 = arith.constant 96 : i32
        %add3A_321 = arith.addi %add3A_240, %add3A_320 : i32
        %ne3A_322 = arith.cmpi ne, %add3A_204, %add3A_242 : i32
        %ne3A_323 = arith.cmpi ne, %add3A_319, %add3A_321 : i32
        %or3A_324 = arith.constant false
        %or3A_325 = arith.ori %or3A_324, %ne3A_322 : i1
        %or3A_326 = arith.ori %or3A_325, %ne3A_323 : i1
        %or3A_327 = arith.ori %or3A_326, %eq3A_200 : i1
        %convert_element_type3A_328 = arith.extui %or3A_327 : i1 to i32
        %cond3A_329 = arith.constant 0 : i32
        %cond3A_330 = arith.cmpi ne, %convert_element_type3A_328, %cond3A_329 : i32
        scf.if %cond3A_330 {
        } else {
        }
        %and3A_331 = arith.constant false
        %and3A_332 = arith.andi %or3A_327, %and3A_331 : i1
        %ne3A_333 = arith.cmpi ne, %add3A_202, %add3A_240 : i32
        %or3A_334 = arith.constant false
        %or3A_335 = arith.ori %or3A_334, %ne3A_333 : i1
        %or3A_336 = arith.ori %or3A_335, %eq3A_200 : i1
        %convert_element_type3A_337 = arith.extui %or3A_336 : i1 to i32
        %cond3A_338 = arith.constant 0 : i32
        %cond3A_339 = arith.cmpi ne, %convert_element_type3A_337, %cond3A_338 : i32
        scf.if %cond3A_339 {
          "tpu.trace_start"() <{level = 10 : i32, message = "ep_copy_out"}> : () -> ()
          %rem3A_405 = arith.constant 2 : i32
          %rem3A_406 = arith.remui %scan3A_193, %rem3A_405 : i32
          %mul3A_407 = arith.constant 128 : i32
          %mul3A_408 = arith.muli %mul3A_407, %add3A_202 : i32
          %mul3A_409 = arith.constant 128 : i32
          %mul3A_410 = arith.muli %rem3A_406, %mul3A_409 : i32
          %add3A_411 = arith.constant 0 : i32
          %add3A_412 = arith.addi %mul3A_410, %add3A_411 : i32
          %dma_start3A_413 = tpu.memref_slice %run_scoped3A_8[%add3A_412] : memref<256xf32, #tpu.memory_space<vmem>> -> memref<128xf32, #tpu.memory_space<vmem>>
          %dma_start3A_414 = tpu.memref_slice %arg3[%mul3A_408] : memref<4096xf32, #tpu.memory_space<hbm>> -> memref<128xf32, #tpu.memory_space<hbm>>
          %dma_start3A_415 = tpu.memref_slice %run_scoped3A_9[%rem3A_406] : memref<2x!tpu.dma_semaphore, #tpu.memory_space<semaphore_mem>> -> memref<1x!tpu.dma_semaphore, #tpu.memory_space<semaphore_mem>>
          %dma_start3A_416 = tpu.memref_squeeze %dma_start3A_415 : memref<1x!tpu.dma_semaphore, #tpu.memory_space<semaphore_mem>> -> memref<!tpu.dma_semaphore, #tpu.memory_space<semaphore_mem>>
          %dma_start3A_417 = tpu.memref_slice %arg3[%mul3A_408] : memref<4096xf32, #tpu.memory_space<hbm>> -> memref<128xf32, #tpu.memory_space<hbm>>
          %dma_start3A_418 = tpu.memref_slice %run_scoped3A_8[%add3A_412] : memref<256xf32, #tpu.memory_space<vmem>> -> memref<128xf32, #tpu.memory_space<vmem>>
          tpu.enqueue_dma source(%dma_start3A_418 : memref<128xf32, #tpu.memory_space<vmem>>) target(%dma_start3A_417 : memref<128xf32, #tpu.memory_space<hbm>>) target_semaphore(%dma_start3A_416 : memref<!tpu.dma_semaphore, #tpu.memory_space<semaphore_mem>>)
          "tpu.trace_stop"() : () -> ()
        } else {
        }
        %and3A_340 = arith.constant true
        %and3A_341 = arith.andi %or3A_336, %and3A_340 : i1
        %add3A_342 = arith.constant 1 : i32
        %add3A_343 = arith.addi %scan3A_193, %add3A_342 : i32
        %select_n3A_344 = arith.select %and3A_341, %add3A_343, %scan3A_193 : i32
        %add3A_345 = arith.constant 96 : i32
        %add3A_346 = arith.addi %add3A_202, %add3A_345 : i32
        %add3A_347 = arith.constant 96 : i32
        %add3A_348 = arith.addi %add3A_221, %add3A_347 : i32
        %ne3A_349 = arith.cmpi ne, %add3A_204, %add3A_223 : i32
        %ne3A_350 = arith.cmpi ne, %add3A_346, %add3A_348 : i32
        %or3A_351 = arith.constant false
        %or3A_352 = arith.ori %or3A_351, %ne3A_349 : i1
        %or3A_353 = arith.ori %or3A_352, %ne3A_350 : i1
        %not3A_354 = arith.constant true
        %not3A_355 = arith.xori %eq3A_198, %not3A_354 : i1
        %and3A_356 = arith.andi %or3A_353, %not3A_355 : i1
        %convert_element_type3A_357 = arith.extui %and3A_356 : i1 to i32
        %cond3A_358 = arith.constant 0 : i32
        %cond3A_359 = arith.cmpi ne, %convert_element_type3A_357, %cond3A_358 : i32
        scf.if %cond3A_359 {
        } else {
        }
        %and3A_360 = arith.constant false
        %and3A_361 = arith.andi %and3A_356, %and3A_360 : i1
        %ne3A_362 = arith.cmpi ne, %add3A_202, %add3A_221 : i32
        %or3A_363 = arith.constant false
        %or3A_364 = arith.ori %or3A_363, %ne3A_362 : i1
        %not3A_365 = arith.constant true
        %not3A_366 = arith.xori %eq3A_198, %not3A_365 : i1
        %and3A_367 = arith.andi %or3A_364, %not3A_366 : i1
        %convert_element_type3A_368 = arith.extui %and3A_367 : i1 to i32
        %cond3A_369 = arith.constant 0 : i32
        %cond3A_370 = arith.cmpi ne, %convert_element_type3A_368, %cond3A_369 : i32
        scf.if %cond3A_370 {
          "tpu.trace_start"() <{level = 10 : i32, message = "ep_wait_out"}> : () -> ()
          %rem3A_405 = arith.constant 2 : i32
          %rem3A_406 = arith.remui %scan3A_194, %rem3A_405 : i32
          %mul3A_407 = arith.constant 128 : i32
          %mul3A_408 = arith.muli %mul3A_407, %add3A_221 : i32
          %mul3A_409 = arith.constant 128 : i32
          %mul3A_410 = arith.muli %rem3A_406, %mul3A_409 : i32
          %add3A_411 = arith.constant 0 : i32
          %add3A_412 = arith.addi %mul3A_410, %add3A_411 : i32
          %dma_wait3A_413 = tpu.memref_slice %run_scoped3A_8[%add3A_412] : memref<256xf32, #tpu.memory_space<vmem>> -> memref<128xf32, #tpu.memory_space<vmem>>
          %dma_wait3A_414 = tpu.memref_slice %arg3[%mul3A_408] : memref<4096xf32, #tpu.memory_space<hbm>> -> memref<128xf32, #tpu.memory_space<hbm>>
          %dma_wait3A_415 = tpu.memref_slice %run_scoped3A_9[%rem3A_406] : memref<2x!tpu.dma_semaphore, #tpu.memory_space<semaphore_mem>> -> memref<1x!tpu.dma_semaphore, #tpu.memory_space<semaphore_mem>>
          %dma_wait3A_416 = tpu.memref_squeeze %dma_wait3A_415 : memref<1x!tpu.dma_semaphore, #tpu.memory_space<semaphore_mem>> -> memref<!tpu.dma_semaphore, #tpu.memory_space<semaphore_mem>>
          %dma_wait3A_417 = tpu.memref_slice %arg3[%mul3A_408] : memref<4096xf32, #tpu.memory_space<hbm>> -> memref<128xf32, #tpu.memory_space<hbm>>
          %dma_wait3A_418 = tpu.memref_slice %run_scoped3A_8[%add3A_412] : memref<256xf32, #tpu.memory_space<vmem>> -> memref<128xf32, #tpu.memory_space<vmem>>
          tpu.wait_dma2 semaphore(%dma_wait3A_416 : memref<!tpu.dma_semaphore, #tpu.memory_space<semaphore_mem>>) src(%dma_wait3A_418 : memref<128xf32, #tpu.memory_space<vmem>>) dst(%dma_wait3A_417 : memref<128xf32, #tpu.memory_space<hbm>>)
          "tpu.trace_stop"() : () -> ()
        } else {
        }
        %and3A_371 = arith.constant true
        %and3A_372 = arith.andi %and3A_367, %and3A_371 : i1
        %add3A_373 = arith.constant 1 : i32
        %add3A_374 = arith.addi %scan3A_194, %add3A_373 : i32
        %select_n3A_375 = arith.select %and3A_372, %add3A_374, %scan3A_194 : i32
        %add3A_376 = arith.constant 96 : i32
        %add3A_377 = arith.addi %add3A_202, %add3A_376 : i32
        %add3A_378 = arith.constant 96 : i32
        %add3A_379 = arith.addi %add3A_240, %add3A_378 : i32
        %ne3A_380 = arith.cmpi ne, %add3A_204, %add3A_242 : i32
        %ne3A_381 = arith.cmpi ne, %add3A_377, %add3A_379 : i32
        %or3A_382 = arith.constant false
        %or3A_383 = arith.ori %or3A_382, %ne3A_380 : i1
        %or3A_384 = arith.ori %or3A_383, %ne3A_381 : i1
        %or3A_385 = arith.ori %or3A_384, %eq3A_200 : i1
        %add3A_386 = arith.constant 1 : i32
        %add3A_387 = arith.addi %scan3A_192, %add3A_386 : i32
        %select_n3A_388 = arith.select %or3A_385, %add3A_387, %scan3A_192 : i32
        %add3A_389 = arith.constant 1 : i32
        %add3A_390 = arith.addi %scan3A_196, %add3A_389 : i32
        %select_n3A_391 = arith.constant true
        %select_n3A_392 = arith.select %select_n3A_391, %add3A_390, %scan3A_196 : i32
        %eq3A_393 = arith.constant 4 : i32
        %eq3A_394 = arith.cmpi eq, %select_n3A_392, %eq3A_393 : i32
        %select_n3A_395 = arith.constant 0 : i32
        %select_n3A_396 = arith.select %eq3A_394, %select_n3A_395, %select_n3A_392 : i32
        %select_n3A_397 = arith.constant 0 : i32
        %select_n3A_398 = arith.constant 1 : i32
        %select_n3A_399 = arith.select %eq3A_394, %select_n3A_398, %select_n3A_397 : i32
        %eq3A_400 = arith.constant 1 : i32
        %eq3A_401 = arith.cmpi eq, %select_n3A_399, %eq3A_400 : i32
        %select_n3A_402 = arith.constant 0 : i32
        %select_n3A_403 = arith.select %eq3A_401, %select_n3A_402, %select_n3A_399 : i32
        %scan3A_404 = arith.constant 0 : i32
        scf.yield %select_n3A_276, %select_n3A_388, %select_n3A_344, %select_n3A_375, %scan3A_404, %select_n3A_396 : i32, i32, i32, i32, i32, i32
      }
      %scan3A_101 = arith.constant 4 : i32
      %sub3A = arith.constant 1 : i32
      %sub3A_102 = arith.subi %scan3A_100#5, %sub3A : i32
      %select_n3A_103 = arith.constant true
      %select_n3A_104 = arith.select %select_n3A_103, %sub3A_102, %scan3A_100#5 : i32
      %eq3A_105 = arith.constant -1 : i32
      %eq3A_106 = arith.cmpi eq, %select_n3A_104, %eq3A_105 : i32
      %select_n3A_107 = arith.constant 3 : i32
      %select_n3A_108 = arith.select %eq3A_106, %select_n3A_107, %select_n3A_104 : i32
      %sub3A_109 = arith.constant 1 : i32
      %sub3A_110 = arith.subi %scan3A_100#4, %sub3A_109 : i32
      %select_n3A_111 = arith.select %eq3A_106, %sub3A_110, %scan3A_100#4 : i32
      %eq3A_112 = arith.constant -1 : i32
      %eq3A_113 = arith.cmpi eq, %select_n3A_111, %eq3A_112 : i32
      %select_n3A_114 = arith.constant 0 : i32
      %select_n3A_115 = arith.select %eq3A_113, %select_n3A_114, %select_n3A_111 : i32
      %add3A_116 = arith.constant 0 : i32
      %add3A_117 = arith.addi %add3A_116, %mul3A_6 : i32
      %add3A_118 = arith.constant 0 : i32
      %add3A_119 = arith.addi %select_n3A_108, %add3A_118 : i32
      %sub3A_120 = arith.constant 1 : i32
      %sub3A_121 = arith.subi %select_n3A_108, %sub3A_120 : i32
      %select_n3A_122 = arith.constant true
      %select_n3A_123 = arith.select %select_n3A_122, %sub3A_121, %select_n3A_108 : i32
      %eq3A_124 = arith.constant -1 : i32
      %eq3A_125 = arith.cmpi eq, %select_n3A_123, %eq3A_124 : i32
      %select_n3A_126 = arith.constant 3 : i32
      %select_n3A_127 = arith.select %eq3A_125, %select_n3A_126, %select_n3A_123 : i32
      %select_n3A_128 = arith.constant 0 : i32
      %select_n3A_129 = arith.constant -1 : i32
      %select_n3A_130 = arith.select %eq3A_125, %select_n3A_129, %select_n3A_128 : i32
      %eq3A_131 = arith.constant -1 : i32
      %eq3A_132 = arith.cmpi eq, %select_n3A_130, %eq3A_131 : i32
      %select_n3A_133 = arith.constant 0 : i32
      %select_n3A_134 = arith.select %eq3A_132, %select_n3A_133, %select_n3A_130 : i32
      %add3A_135 = arith.constant 0 : i32
      %add3A_136 = arith.addi %add3A_135, %mul3A_6 : i32
      %add3A_137 = arith.constant 0 : i32
      %add3A_138 = arith.addi %select_n3A_127, %add3A_137 : i32
      %add3A_139 = arith.constant 1 : i32
      %add3A_140 = arith.addi %select_n3A_108, %add3A_139 : i32
      %select_n3A_141 = arith.constant true
      %select_n3A_142 = arith.select %select_n3A_141, %add3A_140, %select_n3A_108 : i32
      %eq3A_143 = arith.constant 4 : i32
      %eq3A_144 = arith.cmpi eq, %select_n3A_142, %eq3A_143 : i32
      %select_n3A_145 = arith.constant 0 : i32
      %select_n3A_146 = arith.select %eq3A_144, %select_n3A_145, %select_n3A_142 : i32
      %select_n3A_147 = arith.constant 0 : i32
      %select_n3A_148 = arith.constant 1 : i32
      %select_n3A_149 = arith.select %eq3A_144, %select_n3A_148, %select_n3A_147 : i32
      %eq3A_150 = arith.constant 1 : i32
      %eq3A_151 = arith.cmpi eq, %select_n3A_149, %eq3A_150 : i32
      %select_n3A_152 = arith.constant 0 : i32
      %select_n3A_153 = arith.select %eq3A_151, %select_n3A_152, %select_n3A_149 : i32
      %add3A_154 = arith.constant 0 : i32
      %add3A_155 = arith.addi %add3A_154, %mul3A_6 : i32
      %add3A_156 = arith.constant 0 : i32
      %add3A_157 = arith.addi %select_n3A_146, %add3A_156 : i32
      %add3A_158 = arith.constant 1 : i32
      %add3A_159 = arith.addi %select_n3A_146, %add3A_158 : i32
      %select_n3A_160 = arith.constant true
      %select_n3A_161 = arith.select %select_n3A_160, %add3A_159, %select_n3A_146 : i32
      %eq3A_162 = arith.constant 4 : i32
      %eq3A_163 = arith.cmpi eq, %select_n3A_161, %eq3A_162 : i32
      %select_n3A_164 = arith.constant 0 : i32
      %select_n3A_165 = arith.select %eq3A_163, %select_n3A_164, %select_n3A_161 : i32
      %select_n3A_166 = arith.constant 0 : i32
      %select_n3A_167 = arith.constant 1 : i32
      %select_n3A_168 = arith.select %eq3A_163, %select_n3A_167, %select_n3A_166 : i32
      %eq3A_169 = arith.constant 1 : i32
      %eq3A_170 = arith.cmpi eq, %select_n3A_168, %eq3A_169 : i32
      %select_n3A_171 = arith.constant 0 : i32
      %select_n3A_172 = arith.select %eq3A_170, %select_n3A_171, %select_n3A_168 : i32
      %add3A_173 = arith.constant 0 : i32
      %add3A_174 = arith.addi %add3A_173, %mul3A_6 : i32
      %add3A_175 = arith.constant 0 : i32
      %add3A_176 = arith.addi %select_n3A_165, %add3A_175 : i32
      "tpu.trace_start"() <{level = 10 : i32, message = "ep_finalize"}> : () -> ()
      %rem3A_177 = arith.constant 2 : i32
      %rem3A_178 = arith.remui %scan3A_100#3, %rem3A_177 : i32
      %mul3A_179 = arith.constant 128 : i32
      %mul3A_180 = arith.muli %mul3A_179, %add3A_117 : i32
      %mul3A_181 = arith.constant 128 : i32
      %mul3A_182 = arith.muli %rem3A_178, %mul3A_181 : i32
      %add3A_183 = arith.constant 0 : i32
      %add3A_184 = arith.addi %mul3A_182, %add3A_183 : i32
      %dma_wait3A = tpu.memref_slice %run_scoped3A_8[%add3A_184] : memref<256xf32, #tpu.memory_space<vmem>> -> memref<128xf32, #tpu.memory_space<vmem>>
      %dma_wait3A_185 = tpu.memref_slice %arg3[%mul3A_180] : memref<4096xf32, #tpu.memory_space<hbm>> -> memref<128xf32, #tpu.memory_space<hbm>>
      %dma_wait3A_186 = tpu.memref_slice %run_scoped3A_9[%rem3A_178] : memref<2x!tpu.dma_semaphore, #tpu.memory_space<semaphore_mem>> -> memref<1x!tpu.dma_semaphore, #tpu.memory_space<semaphore_mem>>
      %dma_wait3A_187 = tpu.memref_squeeze %dma_wait3A_186 : memref<1x!tpu.dma_semaphore, #tpu.memory_space<semaphore_mem>> -> memref<!tpu.dma_semaphore, #tpu.memory_space<semaphore_mem>>
      %dma_wait3A_188 = tpu.memref_slice %arg3[%mul3A_180] : memref<4096xf32, #tpu.memory_space<hbm>> -> memref<128xf32, #tpu.memory_space<hbm>>
      %dma_wait3A_189 = tpu.memref_slice %run_scoped3A_8[%add3A_184] : memref<256xf32, #tpu.memory_space<vmem>> -> memref<128xf32, #tpu.memory_space<vmem>>
      tpu.wait_dma2 semaphore(%dma_wait3A_187 : memref<!tpu.dma_semaphore, #tpu.memory_space<semaphore_mem>>) src(%dma_wait3A_189 : memref<128xf32, #tpu.memory_space<vmem>>) dst(%dma_wait3A_188 : memref<128xf32, #tpu.memory_space<hbm>>)
      "tpu.trace_stop"() : () -> ()
      tpu.yield
    }) : () -> ()
    return
  }
}

module attributes {stable_mosaic.version = 14 : i64} {
  func.func @tck(%arg0: i32, %arg1: memref<160x12288xf32, #tpu.memory_space<vmem>>, %arg2: memref<1x12288xf32, #tpu.memory_space<vmem>>, %arg3: memref<16x12288xf32, #tpu.memory_space<vmem>>, %arg4: memref<16x12288xf32, #tpu.memory_space<vmem>>) attributes {dimension_semantics = [#tpu.dimension_semantics<arbitrary>], iteration_bounds = array<i64: 10>, scalar_prefetch = 0 : i64, scratch_operands = 2 : i64, tpu.core_type = #tpu.core_type<tc>, window_params = [{transform_indices = @transform_0, window_bounds = array<i64: 160, 12288>}, {pipeline_mode = #tpu.pipeline_mode<synchronous>, transform_indices = @transform_1, window_bounds = array<i64: 1, 12288>}]} {
    %get3A = arith.constant 0 : index
    %get3A_0 = arith.constant 0 : index
    %get3A_1 = vector.load %arg1[%get3A, %get3A_0] : memref<160x12288xf32, #tpu.memory_space<vmem>>, vector<16x12288xf32>
    %mul3A = arith.mulf %get3A_1, %get3A_1 : vector<16x12288xf32>
    %get3A_2 = arith.constant 16 : index
    %get3A_3 = arith.constant 0 : index
    %get3A_4 = vector.load %arg1[%get3A_2, %get3A_3] : memref<160x12288xf32, #tpu.memory_space<vmem>>, vector<16x12288xf32>
    %add3A = arith.addf %get3A_1, %get3A_4 : vector<16x12288xf32>
    %mul3A_5 = arith.mulf %get3A_4, %get3A_4 : vector<16x12288xf32>
    %add3A_6 = arith.addf %mul3A, %mul3A_5 : vector<16x12288xf32>
    %get3A_7 = arith.constant 32 : index
    %get3A_8 = arith.constant 0 : index
    %get3A_9 = vector.load %arg1[%get3A_7, %get3A_8] : memref<160x12288xf32, #tpu.memory_space<vmem>>, vector<16x12288xf32>
    %add3A_10 = arith.addf %add3A, %get3A_9 : vector<16x12288xf32>
    %mul3A_11 = arith.mulf %get3A_9, %get3A_9 : vector<16x12288xf32>
    %add3A_12 = arith.addf %add3A_6, %mul3A_11 : vector<16x12288xf32>
    %get3A_13 = arith.constant 48 : index
    %get3A_14 = arith.constant 0 : index
    %get3A_15 = vector.load %arg1[%get3A_13, %get3A_14] : memref<160x12288xf32, #tpu.memory_space<vmem>>, vector<16x12288xf32>
    %add3A_16 = arith.addf %add3A_10, %get3A_15 : vector<16x12288xf32>
    %mul3A_17 = arith.mulf %get3A_15, %get3A_15 : vector<16x12288xf32>
    %add3A_18 = arith.addf %add3A_12, %mul3A_17 : vector<16x12288xf32>
    %get3A_19 = arith.constant 64 : index
    %get3A_20 = arith.constant 0 : index
    %get3A_21 = vector.load %arg1[%get3A_19, %get3A_20] : memref<160x12288xf32, #tpu.memory_space<vmem>>, vector<16x12288xf32>
    %add3A_22 = arith.addf %add3A_16, %get3A_21 : vector<16x12288xf32>
    %mul3A_23 = arith.mulf %get3A_21, %get3A_21 : vector<16x12288xf32>
    %add3A_24 = arith.addf %add3A_18, %mul3A_23 : vector<16x12288xf32>
    %get3A_25 = arith.constant 80 : index
    %get3A_26 = arith.constant 0 : index
    %get3A_27 = vector.load %arg1[%get3A_25, %get3A_26] : memref<160x12288xf32, #tpu.memory_space<vmem>>, vector<16x12288xf32>
    %add3A_28 = arith.addf %add3A_22, %get3A_27 : vector<16x12288xf32>
    %mul3A_29 = arith.mulf %get3A_27, %get3A_27 : vector<16x12288xf32>
    %add3A_30 = arith.addf %add3A_24, %mul3A_29 : vector<16x12288xf32>
    %get3A_31 = arith.constant 96 : index
    %get3A_32 = arith.constant 0 : index
    %get3A_33 = vector.load %arg1[%get3A_31, %get3A_32] : memref<160x12288xf32, #tpu.memory_space<vmem>>, vector<16x12288xf32>
    %add3A_34 = arith.addf %add3A_28, %get3A_33 : vector<16x12288xf32>
    %mul3A_35 = arith.mulf %get3A_33, %get3A_33 : vector<16x12288xf32>
    %add3A_36 = arith.addf %add3A_30, %mul3A_35 : vector<16x12288xf32>
    %get3A_37 = arith.constant 112 : index
    %get3A_38 = arith.constant 0 : index
    %get3A_39 = vector.load %arg1[%get3A_37, %get3A_38] : memref<160x12288xf32, #tpu.memory_space<vmem>>, vector<16x12288xf32>
    %add3A_40 = arith.addf %add3A_34, %get3A_39 : vector<16x12288xf32>
    %mul3A_41 = arith.mulf %get3A_39, %get3A_39 : vector<16x12288xf32>
    %add3A_42 = arith.addf %add3A_36, %mul3A_41 : vector<16x12288xf32>
    %get3A_43 = arith.constant 128 : index
    %get3A_44 = arith.constant 0 : index
    %get3A_45 = vector.load %arg1[%get3A_43, %get3A_44] : memref<160x12288xf32, #tpu.memory_space<vmem>>, vector<16x12288xf32>
    %add3A_46 = arith.addf %add3A_40, %get3A_45 : vector<16x12288xf32>
    %mul3A_47 = arith.mulf %get3A_45, %get3A_45 : vector<16x12288xf32>
    %add3A_48 = arith.addf %add3A_42, %mul3A_47 : vector<16x12288xf32>
    %get3A_49 = arith.constant 144 : index
    %get3A_50 = arith.constant 0 : index
    %get3A_51 = vector.load %arg1[%get3A_49, %get3A_50] : memref<160x12288xf32, #tpu.memory_space<vmem>>, vector<16x12288xf32>
    %add3A_52 = arith.addf %add3A_46, %get3A_51 : vector<16x12288xf32>
    %mul3A_53 = arith.mulf %get3A_51, %get3A_51 : vector<16x12288xf32>
    %add3A_54 = arith.addf %add3A_48, %mul3A_53 : vector<16x12288xf32>
    %eq3A = arith.constant 0 : i32
    %eq3A_55 = arith.cmpi eq, %arg0, %eq3A : i32
    %get3A_56 = arith.constant 0 : index
    %get3A_57 = arith.constant 0 : index
    %get3A_58 = vector.load %arg3[%get3A_56, %get3A_57] : memref<16x12288xf32, #tpu.memory_space<vmem>>, vector<16x12288xf32>
    %add3A_59 = arith.addf %get3A_58, %add3A_52 : vector<16x12288xf32>
    %select_n3A = arith.select %eq3A_55, %add3A_52, %add3A_59 : vector<16x12288xf32>
    %eq3A_60 = arith.constant 0 : i32
    %eq3A_61 = arith.cmpi eq, %arg0, %eq3A_60 : i32
    %get3A_62 = arith.constant 0 : index
    %get3A_63 = arith.constant 0 : index
    %get3A_64 = vector.load %arg4[%get3A_62, %get3A_63] : memref<16x12288xf32, #tpu.memory_space<vmem>>, vector<16x12288xf32>
    %add3A_65 = arith.addf %get3A_64, %add3A_54 : vector<16x12288xf32>
    %select_n3A_66 = arith.select %eq3A_61, %add3A_54, %add3A_65 : vector<16x12288xf32>
    %swap3A = arith.constant 0 : index
    %swap3A_67 = arith.constant 0 : index
    %swap3A_68 = vector.load %arg3[%swap3A, %swap3A_67] : memref<16x12288xf32, #tpu.memory_space<vmem>>, vector<16x12288xf32>
    tpu.vector_store %arg3[%swap3A, %swap3A_67], %select_n3A {strides = array<i32>} : memref<16x12288xf32, #tpu.memory_space<vmem>>, vector<16x12288xf32>,
    %swap3A_69 = arith.constant 0 : index
    %swap3A_70 = arith.constant 0 : index
    %swap3A_71 = vector.load %arg4[%swap3A_69, %swap3A_70] : memref<16x12288xf32, #tpu.memory_space<vmem>>, vector<16x12288xf32>
    tpu.vector_store %arg4[%swap3A_69, %swap3A_70], %select_n3A_66 {strides = array<i32>} : memref<16x12288xf32, #tpu.memory_space<vmem>>, vector<16x12288xf32>,
    %eq3A_72 = arith.constant 9 : i32
    %eq3A_73 = arith.cmpi eq, %arg0, %eq3A_72 : i32
    %convert_element_type3A = arith.extui %eq3A_73 : i1 to i32
    %cond3A = arith.constant 0 : i32
    %cond3A_74 = arith.cmpi ne, %convert_element_type3A, %cond3A : i32
    scf.if %cond3A_74 {
      %mul3A_75 = arith.mulf %select_n3A, %select_n3A : vector<16x12288xf32>
      %reduce_sum3A = arith.constant dense<0.000000e+00> : vector<12288xf32>
      %reduce_sum3A_76 = vector.multi_reduction <add>, %mul3A_75, %reduce_sum3A [0] : vector<16x12288xf32> to vector<12288xf32>
      %reduce_sum3A_77 = arith.constant dense<0.000000e+00> : vector<12288xf32>
      %reduce_sum3A_78 = vector.multi_reduction <add>, %select_n3A_66, %reduce_sum3A_77 [0] : vector<16x12288xf32> to vector<12288xf32>
      %sub3A = arith.subf %reduce_sum3A_76, %reduce_sum3A_78 : vector<12288xf32>
      %mul3A_79 = arith.constant 5.000000e-01 : f32
      %mul3A_80 = vector.broadcast %mul3A_79 : f32 to vector<12288xf32>
      %mul3A_81 = arith.mulf %sub3A, %mul3A_80 : vector<12288xf32>
      %swap3A_82 = arith.constant 0 : index
      %swap3A_83 = arith.constant 0 : index
      %swap3A_84 = vector.load %arg2[%swap3A_82, %swap3A_83] : memref<1x12288xf32, #tpu.memory_space<vmem>>, vector<1x12288xf32>
      %swap3A_85 = vector.shape_cast %swap3A_84 : vector<1x12288xf32> to vector<12288xf32>
      %swap3A_86 = vector.shape_cast %mul3A_81 : vector<12288xf32> to vector<1x12288xf32>
      tpu.vector_store %arg2[%swap3A_82, %swap3A_83], %swap3A_86 {strides = array<i32>} : memref<1x12288xf32, #tpu.memory_space<vmem>>, vector<1x12288xf32>,
    } else {
    }
    return
  }
  func.func @transform_0(%arg0: i32) -> (i32, i32) {
    %c0_i32 = arith.constant 0 : i32
    %c0_i32_0 = arith.constant 0 : i32
    return %arg0, %c0_i32 : i32, i32
  }
  func.func @transform_1(%arg0: i32) -> (i32, i32) {
    %c0_i32 = arith.constant 0 : i32
    %c0_i32_0 = arith.constant 0 : i32
    %c0_i32_1 = arith.constant 0 : i32
    return %c0_i32, %c0_i32_0 : i32, i32
  }
}

</mosaic_0001>

<sc_bundles>
// kernel: _pool.4.cloned.1.call-start
scs
__scs_entry_jumppad:
0x0: {  	(pc) =	sbr.rel $0x88, $3  }
0x1: {  	(tag) =	ssettag $0x0;
	lr =	simm.s32 $0x1  }
0x2: {  	[smem:$0x3FA0] =	sst lr;
	_ =	strace $0xD0000000  }
0x3: {  	_ = 	snop  }
0x4: {  	_ = 	snop  }
0x5: {  	_ = 	snop  }
0x6: {  	_ = 	snop  }
0x7: {  	_ = 	snop  }
__scs_overlays_trampoline_lowered:
0x8: {  	[smem:$0x3FAF] =	sst s0  }
0x9: {  	[smem:$0x3FB0] =	sst s1  }
0xa: {  	[smem:$0x3FB1] =	sst s2  }
0xb: {  	[smem:$0x3FB2] =	sst s3  }
0xc: {  	[smem:$0x3FB3] =	sst s4  }
0xd: {  	[smem:$0x3FB4] =	sst s5  }
0xe: {  	[smem:$0x3FB5] =	sst s6  }
0xf: {  	[smem:$0x3FB6] =	sst s7  }
0x10: {  	[smem:$0x3FB7] =	sst s8  }
0x11: {  	[smem:$0x3FB8] =	sst s9;
	s0 =	simm.s32 @!p0 $0x0  }
0x12: {  	s1 =	sld [smem:$0x3F9E];
	s0 =	simm.s32 @p0 $0x1  }
0x13: {  	[smem:$0x3FB9] =	sst s0;
	s0 =	simm.s32 @!p1 $0x0  }
0x14: {  	s2 =	sld [smem:$0x3F9D];
	s0 =	simm.s32 @p1 $0x1  }
0x15: {  	[smem:$0x3FBA] =	sst s0;
	s0 =	simm.s32 @!p2 $0x0  }
0x16: {  	s3 =	sld [smem:$0x3FDB];
	s0 =	simm.s32 @p2 $0x1  }
0x17: {  	s4 =	simm.s32 $0x1BF5;
	[smem:$0x3FBC] =	sst s0  }
0x18: {  	s0 =	sld [smem:$0x3F9F];
	_ =	swait.ge [sflag:s4], $0x0  }
0x19: {  	s7 =	sld [smem:$0x3FA0]  }
0x1a: {  	s8 =	sadd.s32 $0xFFFFE003, lr  }
0x1b: {  	s9 =	sadd.s32 $0xFFFFFEF7, lr;
	s5 =	simm.s32 $0xFFFFFFFF;
	p2 =	slt.u32 s8, $0xFFFFF086  }
0x1c: {  	p1 =	slt.u32 s9, $0xF7A;
	s5 =	simm.s32 @!p2 $0x0  }
0x1d: {  	s5 =	simm.s32 @p1 $0x1;
	p0 =	seq.s32 s7, s2  }
0x1e: {  	s7 =	smul.u32 @!p0 $0xF7A, s2;
	p2 =	seq.s32 @!p0 s5, $0x0  }
0x1f: {  	s9 =	smul.u32 $0xF7A, s1;
	s8 =	simm.s32 @!p0 $0x1BF5;
	p2 =	por !p2, p0  }
0x20: {  	[sflag:s8] =	ssyncset.s32 @!p0 $0xFFFFF086;
	s6 =	sadd.s32 @!p0 s3, s7;
	s7 =	simm.s32 @!p0 $0x108  }
0x21: {  	s3 =	sadd.s32 s3, s9;
	s6 =	sadd.s32 @!p0 $0x88, s6;
	s7 =	simm.s32 @p2 $0x1082  }
0x22: {  	[simem:s7], [sflag:s8] =	dma.local @!p0 [hbm:s6], $0xF7A  }
0x23: {  	s9 =	sor.u32 $0xD0000000, s2;
	s6 =	simm.s32 $0x108;
	_ =	swait.ge @!p0 [sflag:s8], $0x0  }
0x24: {  	s3 =	sadd.s32 $0x88, s3;
	s6 =	simm.s32 @!p1 $0x1082;
	[sflag:s4] =	ssyncset.s32 $0xFFFFF086  }
0x25: {  	[simem:s6], [sflag:s4] =	dma.local [hbm:s3], $0xF7A  }
0x26: {  	[smem:$0x3FA0] =	sst s1;
	(tag) =	ssettag s2;
	_ =	strace s9  }
0x27: {  	s1 =	sld [smem:$0x3FB0]  }
0x28: {  	s2 =	sld [smem:$0x3FB1]  }
0x29: {  	s4 =	sld [smem:$0x3FB3]  }
0x2a: {  	p0 =	seq.s32 s5, $0x0;
	s5 =	sld [smem:$0x3FB4]  }
0x2b: {  	s6 =	sld [smem:$0x3FB5]  }
0x2c: {  	s7 =	sld [smem:$0x3FB6]  }
0x2d: {  	s3 =	simm.s32 $0x108;
	s8 =	sld [smem:$0x3FB7]  }
0x2e: {  	s3 =	simm.s32 @!p0 $0x1082;
	s9 =	sld [smem:$0x3FB8]  }
0x2f: {  	lr =	sadd.s32 s0, s3;
	s0 =	sld [smem:$0x3FAF]  }
0x30: {  	s3 =	sld [smem:$0x3FB2]  }
0x31: {  	[smem:$0x3FBB] =	sst s10  }
0x32: {  	s10 =	sld [smem:$0x3FB9];
	_ =	sdelay $0x3  }
0x33: {  	p0 =	seq.s32 s10, $0x1;
	s10 =	sld [smem:$0x3FBB];
	_ =	sdelay $0x3  }
0x34: {  	[smem:$0x3FBB] =	sst s10  }
0x35: {  	s10 =	sld [smem:$0x3FBA];
	_ =	sdelay $0x3  }
0x36: {  	p1 =	seq.s32 s10, $0x1;
	s10 =	sld [smem:$0x3FBB];
	_ =	sdelay $0x3  }
0x37: {  	[smem:$0x3FBB] =	sst s10  }
0x38: {  	s10 =	sld [smem:$0x3FBC]  }
0x39: {  	_ = 	snop;
	(pc) =	sbr.ind lr, $3  }
0x3a: {  	_ = 	snop  }
0x3b: {  	_ = 	snop  }
0x3c: {  	p2 =	seq.s32 s10, $0x1;
	s10 =	sld [smem:$0x3FBB]  }
0x3d: {  	_ =	shalt  }
0x3e: {  	_ =	shalt  }
0x3f: {  	_ =	shalt  }
0x40: {  	_ =	shalt  }
0x41: {  	_ =	shalt  }
0x42: {  	_ =	shalt  }
0x43: {  	_ =	shalt  }
0x44: {  	_ =	shalt  }
0x45: {  	_ =	shalt  }
0x46: {  	_ =	shalt  }
0x47: {  	_ =	shalt  }
0x48: {  	_ =	shalt  }
0x49: {  	_ =	shalt  }
0x4a: {  	_ =	shalt  }
0x4b: {  	_ =	shalt  }
0x4c: {  	_ =	shalt  }
0x4d: {  	_ =	shalt  }
0x4e: {  	_ =	shalt  }
0x4f: {  	_ =	shalt  }
0x50: {  	_ =	shalt  }
0x51: {  	_ =	shalt  }
0x52: {  	_ =	shalt  }
0x53: {  	_ =	shalt  }
0x54: {  	_ =	shalt  }
0x55: {  	_ =	shalt  }
0x56: {  	_ =	shalt  }
0x57: {  	_ =	shalt  }
0x58: {  	_ =	shalt  }
0x59: {  	_ =	shalt  }
0x5a: {  	_ =	shalt  }
0x5b: {  	_ =	shalt  }
0x5c: {  	_ =	shalt  }
0x5d: {  	_ =	shalt  }
0x5e: {  	_ =	shalt  }
0x5f: {  	_ =	shalt  }
0x60: {  	_ =	shalt  }
0x61: {  	_ =	shalt  }
0x62: {  	_ =	shalt  }
0x63: {  	_ =	shalt  }
0x64: {  	_ =	shalt  }
0x65: {  	_ =	shalt  }
0x66: {  	_ =	shalt  }
0x67: {  	_ =	shalt  }
0x68: {  	_ =	shalt  }
0x69: {  	_ =	shalt  }
0x6a: {  	_ =	shalt  }
0x6b: {  	_ =	shalt  }
0x6c: {  	_ =	shalt  }
0x6d: {  	_ =	shalt  }
0x6e: {  	_ =	shalt  }
0x6f: {  	_ =	shalt  }
0x70: {  	_ =	shalt  }
0x71: {  	_ =	shalt  }
0x72: {  	_ =	shalt  }
0x73: {  	_ =	shalt  }
0x74: {  	_ =	shalt  }
0x75: {  	_ =	shalt  }
0x76: {  	_ =	shalt  }
0x77: {  	_ =	shalt  }
0x78: {  	_ =	shalt  }
0x79: {  	_ =	shalt  }
0x7a: {  	_ =	shalt  }
0x7b: {  	_ =	shalt  }
0x7c: {  	_ =	shalt  }
0x7d: {  	_ =	shalt  }
0x7e: {  	_ =	shalt  }
0x7f: {  	_ =	shalt  }
0x80: {  	_ =	shalt  }
0x81: {  	_ =	shalt  }
0x82: {  	_ =	shalt  }
0x83: {  	_ =	shalt  }
0x84: {  	_ =	shalt  }
0x85: {  	_ =	shalt  }
0x86: {  	_ =	shalt  }
0x87: {  	_ =	shalt  }
.Lfunc_end0:
.L_simem_size_0:
called_computation_lowered:
.L_overlay_start_0:
0x88: {  	s2 =	sld [smem:$0x3FD9]  }
0x89: {  	s3 =	sld [smem:$0x3FFE];
	_ =	sdelay $0x1  }
0x8a: {  	s1 =	srdreg.scid  }
0x8b: {  	s0 =	sand.u32 $0x1, s1  }
0x8c: {  	s17 =	sshll.u32 s0, $0xA;
	s2 =	sadd.s32 s3, s2  }
0x8d: {  	s2 =	sadd.s32 s2, s17  }
0x8e: {  	[smem:$0x3FC7] =	sst s2  }
0x8f: {  	_ = 	snop  }
0x90: {  	s2 =	sld [smem:$0x3FC9];
	(tm) =	ssettm $0x1  }
0x91: {  	s18 =	sld [smem:$0x3FFB];
	_ =	sdelay $0x3  }
0x92: {  	_ =	strace s18  }
0x93: {  	s3 =	sld [smem:$0x3FFC];
	_ =	sdelay $0x3  }
0x94: {  	_ =	strace s3  }
0x95: {  	s3 =	sld [smem:$0x3FFD];
	_ =	sdelay $0x3  }
0x96: {  	_ =	strace s3  }
0x97: {  	_ =	strace $0x8FFFFFFF  }
0x98: {  	s19 =	sld [smem:$0x3FDB];
	_ =	sdelay $0x1  }
0x99: {  	s4 =	simm.s32 $_scs_section_size  }
0x9a: {  	s5 =	simm.s32 $_size__tile_overlayer_lowered;
	s6 =	simm.s32 $_tile_overlayer_lowered  }
0x9b: {  	s22 =	simm.s32 $0x1BFF;
	s21 =	sshll.u32 s6, $0x1;
	s3 =	sadd.s32 s4, s19  }
0x9c: {  	s7 =	simm.s32 $0x0;
	s20 =	sshll.u32 s5, $0x1;
	s5 =	sadd.s32 s21, s3  }
0x9d: {  	[timem:s7], [sflag:s22] =	dma.local [hbm:s5], s20  }
0x9e: {  	_ =	swait.ge [sflag:s22], s20  }
0x9f: {  	s4 =	ssub.s32 $0x0, s20;
	[sflag:s22] =	ssyncset.done $0x0  }
0xa0: {  	[sflag:s22] =	ssyncadd.s32 s4;
	_ =	sdelay $0x1  }
0xa1: {  	s23 =	simm.s32 $0x1B8B  }
0xa2: {  	_ =	swait.ge [sflag:s23], $0x1  }
0xa3: {  	[sflag:s23] =	ssyncset.done $0x0  }
0xa4: {  	s25 =	simm.s32 $0x1B8E;
	s24 =	sld [smem:$0x3FFE];
	[sflag:s23] =	ssyncadd.s32 $0xFFFFFFFF  }
0xa5: {  	s26 =	simm.s32 $execute0_lowered;
	[smem:$0x3FD2] =	sst s25  }
0xa6: {  	s5 =	sshll.u32 s26, $0x1;
	_ =	strace $0x80000046;
	[dreg:$0x1] =	wrdreg $0xFFFFFFFF  }
0xa7: {  	s28 =	simm.s32 $_size_execute0_lowered;
	s3 =	sadd.s32 s3, s5;
	[dreg:$0x0] =	wrdreg $0x0  }
0xa8: {  	s5 =	sshll.u32 s28, $0x1;
	[dreg:$0x2] =	wrdreg s3  }
0xa9: {  	[dreg:$0x3] =	wrdreg s5  }
0xaa: {  	[dreg:$0x4] =	wrdreg $0xC0  }
0xab: {  	_ =	task [dreg:s7], $0x5FFFF  }
0xac: {  	[dreg:$0x1] =	wrdreg $0xFFFFFFFF  }
0xad: {  	[dreg:$0x0] =	wrdreg $0x60  }
0xae: {  	[dreg:$0x2] =	wrdreg s2  }
0xaf: {  	[dreg:$0x3] =	wrdreg s24  }
0xb0: {  	[dreg:$0x4] =	wrdreg $0x9  }
0xb1: {  	_ =	task.clear_ibuf [dreg:s7], $0x5FFFF;
	_ =	strace $0x90000046  }
0xb2: {  	s29 =	simm.s32 $0x9;
	_ =	strace $0x8000004E  }
0xb3: {  	_ =	swait.ge [sflag:s29], $0x1  }
0xb4: {  	[sflag:s29] =	ssyncadd.s32 $0xFFFFFFFF  }
0xb5: {  	_ =	strace $0x9000004E  }
0xb6: {  	_ =	sfence  }
0xb7: {  	s30 =	sld [smem:$0x0];
	_ =	sdelay $0x2  }
0xb8: {  	s31 =	sshll.u32 s1, $0xD;
	s1 =	sshrl.u32 s1, $0x2  }
0xb9: {  	s3 =	sand.u32 $0x4000, s31;
	s1 =	sadd.s32 s1, s30  }
0xba: {  	s0 =	sor.u32 s3, s0;
	s1 =	sshll.u32 s1, $0x11  }
0xbb: {  	s0 =	sor.u32 s1, s0  }
0xbc: {  	s0 =	sadd.s32 $0x8F2B, s0  }
0xbd: {  	[sflag:s0] =	ssyncadd.remote.s32 $0x1  }
0xbe: {  	_ =	sfence.sel $0xFFFF  }
0xbf: {  	[dreg:$0x0] =	wrdreg $0xFFFFFFFF;
	(pc) =	sbr.abs _section_cstart, $3  }
0xc0: {  	[dreg:$0x1] =	wrdreg $0xFFFFFFFF  }
0xc1: {  	_ =	task.clear_ibuf [dreg:s7], $0x2FFFF;
	_ =	strace $0x9FFFFFFF  }
0xc2: {  	(tm) =	ssettm $0x7FFFFFFF  }
0xc3: {  	_ =	shalt  }
tec
execute0_lowered:
.L_overlay_start_1:
0x0: {  	(tag) =	ssettag $0x1  }
0x1: {  	s0 =	srdreg.scid;
	s2 =	rddreg [dreg:$0x0]  }
0x2: {  	s5 =	rddreg [dreg:$0x1];
	s1 =	stileid.u32;
	s3 =	simm.s32 $0x0  }
0x3: {  	s10 =	simm.s32 $0x880;
	s4 =	sand.u32 $0x1, s0;
	s0 =	rddreg [dreg:$0x2]  }
0x4: {  	s11 =	simm.s32 $0x3;
	[smem:$0x7FF] =	sst s3;
	s6 =	sshll.u32 s4, $0x4  }
0x5: {  	_ =	strace $0x80000047;
	s8 =	ssub.s32 $0x2, s4;
	s6 =	sor.u32 s1, s6  }
0x6: {  	s31 =	sshrl.u32 s8, $0x1;
	s7 =	sshll.u32 s6, $0xA;
	s6 =	sshll.u32 s6, $0x4  }
0x7: {  	s4 =	sor.u32 $0x18000, s7;
	s6 =	sadd.s32 s6, s5;
	s7 =	ssub.s32 s8, s31  }
0x8: {  	s8 =	simm.s32 $0x400;
	s9 =	sshrl.u32 s4, $0x3;
	s6 =	sadd.s32 $0x400, s6  }
0x9: {  	s7 =	smax.u32 s7, $0x1;
	s5 =	sadd.s32 s2, s9;
	s9 =	simm.s32 $0x20000  }
.LBB2_1:
0xa: {  	_ =	strace $0x80000048  }
0xb: {  	s12 =	simm.s32 $0x0;
	s13 =	simm.s32 $0x0;
	s14 =	simm.s32 $0x0  }
0xc: {  	[tilespmem:s10], [sflag:$0x1] =	stream.strided.gather [hbm4b:s5+s8], $0xC800, s9, s8, $0x200038;
	[tilespmem:$0x19980] =	vst v63  }
0xd: {  	s15 =	simm.s32 $0x1;
	s16 =	simm.s32 $0x0;
	_ =	strace $0x90000048  }
.LBB2_2:
0xe: {  	s21 =	smov.u32 s12;
	s12 =	sadd.s32 $0x1, s12  }
0xf: {  	p0 =	seq.s32 s12, $0x4  }
0x10: {  	s12 =	simm.s32 @p0 $0x0  }
0x11: {  	p0 =	sne.s32 s16, $0x3;
	p1 =	sne.s32 s21, s12  }
0x12: {  	p2 =	por !p0, !p1  }
0x13: {  	p2 =	por !p2, !p2  }
0x14: {  	s17 =	smul.u32 @p2 $0x640000, s12;
	s18 =	sand.u32 @p2 $0x1, s15  }
0x15: {  	s19 =	smul.u32 @p2 $0x32000, s18  }
0x16: {  	_ =	strace @p2 $0x80000049;
	s20 =	simm.s32 @p2 $0x400;
	s17 =	sor.u32 @p2 s4, s17  }
0x17: {  	s22 =	simm.s32 @p2 $0x20000;
	s19 =	sshrl.u32 @p2 s19, $0x2;
	s17 =	sshrl.u32 @p2 s17, $0x3  }
0x18: {  	s18 =	sadd.s32 @p2 $0x1, s18;
	s19 =	sadd.s32 @p2 $0x880, s19;
	s17 =	sadd.s32 @p2 s2, s17  }
0x19: {  	[tilespmem:s19], [sflag:s18] =	stream.strided.gather @p2 [hbm4b:s17+s20], $0xC800, s22, s20, $0x200038;
	[tilespmem:$0x19980] =	vst v63  }
0x1a: {  	s29 =	sand.u32 $0x1, s14;
	_ =	strace @p2 $0x90000049  }
0x1b: {  	s30 =	sadd.s32 $0x1, s29;
	_ =	strace $0x8000004A  }
0x1c: {  	_ =	swait.ge [sflag:s30], $0xC800  }
0x1d: {  	p3 =	seq.s32 s29, $0x1;
	s17 =	sand.u32 $0x1, s13;
	[sflag:s30] =	ssyncset.done $0x0  }
0x1e: {  	s19 =	simm.s32 $0xD480;
	s31 =	sshll.u32 s17, $0x7;
	[sflag:s30] =	ssyncadd.s32 $0xFFFF3800  }
0x1f: {  	s20 =	simm.s32 $0x0;
	s18 =	sadd.s32 $0x19880, s31;
	_ =	strace $0x9000004A  }
0x20: {  	s19 =	simm.s32 @!p3 $0xC80;
	p3 =	seq.s32 s21, $0x0;
	v0 =	vmov s18;
	_ =	strace $0x8000004B  }
.LBB2_3:
0x21: {  	s21 =	smul.u32 $0x110, s20;
	_ =	sdelay $0x1  }
0x22: {  	v1 =	vld [tilespmem:s21+$0x0]  }
0x23: {  	v2 =	vld [tilespmem:s21+$0x10]  }
0x24: {  	v3 =	vld [tilespmem:s21+$0x20]  }
0x25: {  	v4 =	vld [tilespmem:s21+$0x30]  }
0x26: {  	v6 =	vld [tilespmem:s21+$0x40]  }
0x27: {  	v7 =	vld [tilespmem:s21+$0x50]  }
0x28: {  	v8 =	vld [tilespmem:s21+$0x60]  }
0x29: {  	v9 =	vld [tilespmem:s21+$0x70]  }
0x2a: {  	v11 =	vld [tilespmem:s21+$0x90]  }
0x2b: {  	v12 =	vld [tilespmem:s21+$0xA0]  }
0x2c: {  	v13 =	vld [tilespmem:s21+$0xB0]  }
0x2d: {  	v14 =	vld [tilespmem:s21+$0xC0]  }
0x2e: {  	v5 =	vmov s19;
	v15 =	vld [tilespmem:s21+$0xD0]  }
0x2f: {  	v16 =	vld [tilespmem:s21+$0xE0]  }
0x30: {  	s22 =	sand.u32 $0x7F0, s21;
	v17 =	vld [tilespmem:s21+$0xF0]  }
0x31: {  	v10 =	vld [tilespmem:s22+$0x80]  }
0x32: {  	s23 =	simm.s32 $0x0;
	v18 =	vld [tilespmem:s22+$0x100]  }
0x33: {  	v24 =	vld.idx.msk [tilespmem:v5+s23+$0x380 ss:$0x1], $0xffff  }
0x34: {  	v19 =	vld.idx.msk [tilespmem:v5+s23+$0xFFFFFF80 ss:$0x1], $0xffff  }
0x35: {  	v25 =	vld.idx.msk [tilespmem:v5+s23+$0x300 ss:$0x1], $0xffff  }
0x36: {  	v26 =	vld.idx.msk [tilespmem:v5+s23+$0x0 ss:$0x1], $0xffff  }
0x37: {  	v32 =	vld.idx.msk [tilespmem:v5+s23+$0x280 ss:$0x1], $0xffff  }
0x38: {  	v21 =	vld.idx.msk [tilespmem:v5+s23+$0xFFFFFE00 ss:$0x1], $0xffff  }
0x39: {  	v30 =	vld.idx.msk [tilespmem:v5+s23+$0x200 ss:$0x1], $0xffff  }
0x3a: {  	v27 =	vld.idx.msk [tilespmem:v5+s23+$0x80 ss:$0x1], $0xffff  }
0x3b: {  	v34 =	vld.idx.msk [tilespmem:v5+s23+$0x100 ss:$0x1], $0xffff  }
0x3c: {  	v36 =	vimm.f32 $0.0e+00;
	v20 =	vld.idx.msk [tilespmem:v5+s23+$0xFFFFFF00 ss:$0x1], $0xffff;
	v1 =	vpsel p3, $0x0, v1;
	v2 =	vpsel p3, $0x0, v2  }
0x3d: {  	v31 =	vld.idx.msk [tilespmem:v5+s23+$0xFFFFFC00 ss:$0x1], $0xffff;
	v28 =	vpsel p3, $0x0, v3;
	v29 =	vpsel p3, $0x0, v4;
	v4 =	vpsel p3, $0x0, v6  }
0x3e: {  	v33 =	vld.idx.msk [tilespmem:v5+s23+$0xFFFFFD80 ss:$0x1], $0xffff;
	v7 =	vpsel p3, $0x0, v7;
	v3 =	vpsel p3, $0x0, v8;
	v8 =	vpsel p3, $0x0, v9  }
0x3f: {  	v39 =	vld.idx.msk [tilespmem:v5+s23+$0x180 ss:$0x1], $0xffff;
	v22 =	vpsel p3, $0x0, v11;
	v11 =	vpsel p3, $0x0, v12;
	v12 =	vpsel p3, $0x0, v14  }
0x40: {  	v38 =	vld.idx.msk [tilespmem:v5+s23+$0xFFFFFD00 ss:$0x1], $0xffff;
	v14 =	vpsel p3, $0x0, v15;
	v15 =	vpsel p3, $0x0, v17;
	v16 =	vpsel p3, $0x0, v16  }
0x41: {  	v9 =	vld.idx.msk [tilespmem:v5+s23+$0xFFFFFC80 ss:$0x1], $0xffff;
	v10 =	vpsel p3, $0x0, v10;
	v35 =	vadd.f32 v24, v15;
	v37 =	vadd.f32 v32, v14  }
0x42: {  	s24 =	simm.s32 $0x800;
	v6 =	vld.idx.msk [tilespmem:v5+s23+$0xFFFFFE80 ss:$0x1], $0xffff;
	v40 =	vadd.f32 v30, v12;
	v41 =	vadd.f32 v25, v16;
	v14 =	vpsel p3, $0x0, v18  }
0x43: {  	v43 =	vadd.f32 v34, v11;
	v44 =	vadd.f32 v20, v3;
	v3 =	vld.idx.msk [tilespmem:v5+s24+$0x380 ss:$0x1], $0xffff;
	v42 =	vmul.f32 v19, v19  }
0x44: {  	v45 =	vmul.f32 v20, v20;
	v15 =	vadd.f32 v19, v8;
	v19 =	vld.idx.msk [tilespmem:v5+s24+$0xFFFFFF80 ss:$0x1], $0xffff;
	v20 =	vadd.f32 v21, v4  }
0x45: {  	v16 =	vld.idx.msk [tilespmem:v5+s24+$0x300 ss:$0x1], $0xffff;
	v17 =	vmul.f32 v31, v31;
	v12 =	vadd.f32 v26, v10;
	v10 =	vadd.f32 v27, v22  }
0x46: {  	v11 =	vld.idx.msk [tilespmem:v5+s24+$0x0 ss:$0x1], $0xffff;
	v28 =	vadd.f32 v38, v28;
	v63 =	vmul.f32 v30, v30;
	v8 =	vmul.f32 v9, v9  }
0x47: {  	v4 =	vld.idx.msk [tilespmem:v5+s24+$0x280 ss:$0x1], $0xffff;
	v18 =	vmul.f32 v6, v6;
	v23 =	vadd.f32 v9, v2;
	v9 =	vmul.f32 v21, v21  }
0x48: {  	v46 =	vadd.f32 v17, v14;
	v22 =	vadd.f32 v6, v7;
	v6 =	vmul.f32 v26, v26;
	v17 =	vld.idx.msk [tilespmem:v5+s24+$0x200 ss:$0x1], $0xffff  }
0x49: {  	v30 =	vld.idx.msk [tilespmem:v5+s24+$0xFFFFFD80 ss:$0x1], $0xffff;
	v26 =	vadd.f32 v31, v1;
	v2 =	vadd.f32 v8, v36;
	v8 =	vmul.f32 v33, v33  }
0x4a: {  	v13 =	vpsel p3, $0x0, v13;
	v21 =	vld.idx.msk [tilespmem:v5+s24+$0xFFFFFE00 ss:$0x1], $0xffff;
	v46 =	vadd.f32 v9, v46;
	v1 =	vadd.f32 v3, v35  }
0x4b: {  	v14 =	vld.idx.msk [tilespmem:v5+s24+$0x80 ss:$0x1], $0xffff;
	v7 =	vadd.f32 v8, v36;
	v8 =	vmul.f32 v27, v27;
	v2 =	vadd.f32 v18, v2  }
0x4c: {  	v9 =	vld.idx.msk [tilespmem:v5+s24+$0x100 ss:$0x1], $0xffff;
	v18 =	vmul.f32 v38, v38;
	v27 =	vadd.f32 v33, v29;
	v62 =	vadd.f32 v6, v46  }
0x4d: {  	v47 =	vmul.f32 v39, v39;
	v35 =	vld.idx.msk [tilespmem:v5+s24+$0xFFFFFF00 ss:$0x1], $0xffff;
	v6 =	vadd.f32 v17, v40;
	v33 =	vadd.f32 v8, v2  }
0x4e: {  	v31 =	vld.idx.msk [tilespmem:v5+s24+$0xFFFFFE80 ss:$0x1], $0xffff;
	v29 =	vmul.f32 v25, v25;
	v2 =	vadd.f32 v4, v37;
	v8 =	vadd.f32 v18, v36  }
0x4f: {  	v38 =	vmul.f32 v34, v34;
	v36 =	vld.idx.msk [tilespmem:v5+s24+$0xFFFFFC80 ss:$0x1], $0xffff;
	v18 =	vadd.f32 v39, v13;
	v13 =	vadd.f32 v42, v7  }
0x50: {  	v34 =	vld.idx.msk [tilespmem:v5+s24+$0xFFFFFC00 ss:$0x1], $0xffff;
	v40 =	vmul.f32 v24, v24;
	v7 =	vadd.f32 v16, v41;
	v37 =	vadd.f32 v63, v62  }
0x51: {  	v25 =	vld.idx.msk [tilespmem:v5+s24+$0x180 ss:$0x1], $0xffff;
	v24 =	vmul.f32 v19, v19;
	v42 =	vadd.f32 v45, v8;
	v8 =	vadd.f32 v9, v43  }
0x52: {  	s23 =	simm.s32 $0x4000;
	v39 =	vmul.f32 v32, v32;
	v32 =	vld.idx.msk [tilespmem:v5+s24+$0xFFFFFD00 ss:$0x1], $0xffff;
	v41 =	vadd.f32 v47, v13;
	v13 =	vadd.f32 v35, v44  }
.LBB2_4:
0x53: {  	s24 =	sshra.s32 s23, $0x2;
	p4 =	sne.s32 s23, $0x30000;
	s23 =	sadd.s32 $0x2000, s23;
	v43 =	vmul.f32 v35, v35;
	v15 =	vadd.f32 v19, v15;
	v35 =	vadd.f32 v38, v42;
	v42 =	vmovc v17  }
0x54: {  	v17 =	vmul.f32 v36, v36;
	v38 =	vmul.f32 v31, v31;
	v40 =	vadd.f32 v40, v41;
	v44 =	vld.idx.msk [tilespmem:v5+s24+$0x380 ss:$0x1], $0xffff  }
0x55: {  	v20 =	vadd.f32 v21, v20;
	v41 =	vmul.f32 v34, v34;
	v19 =	vld.idx.msk [tilespmem:v5+s24+$0xFFFFFF80 ss:$0x1], $0xffff;
	v45 =	vadd.f32 v29, v35  }
0x56: {  	v23 =	vadd.f32 v36, v23;
	v47 =	vmul.f32 v11, v11;
	v29 =	vadd.f32 v39, v33;
	v46 =	vld.idx.msk [tilespmem:v5+s24+$0x300 ss:$0x1], $0xffff  }
0x57: {  	v12 =	vadd.f32 v11, v12;
	v10 =	vadd.f32 v14, v10;
	v33 =	vmul.f32 v21, v21;
	v11 =	vld.idx.msk [tilespmem:v5+s24+$0x0 ss:$0x1], $0xffff  }
0x58: {  	v50 =	vmul.f32 v30, v30;
	v49 =	vmul.f32 v25, v25;
	v35 =	vadd.f32 v17, v29;
	v48 =	vld.idx.msk [tilespmem:v5+s24+$0x280 ss:$0x1], $0xffff  }
0x59: {  	v22 =	vadd.f32 v31, v22;
	v37 =	vadd.f32 v41, v37;
	v29 =	vmul.f32 v16, v16;
	v21 =	vld.idx.msk [tilespmem:v5+s24+$0xFFFFFE00 ss:$0x1], $0xffff  }
0x5a: {  	v26 =	vadd.f32 v34, v26;
	v39 =	vadd.f32 v50, v40;
	v16 =	vmul.f32 v14, v14;
	v17 =	vld.idx.msk [tilespmem:v5+s24+$0x200 ss:$0x1], $0xffff  }
0x5b: {  	v36 =	vmov v9;
	v34 =	vadd.f32 v33, v37;
	v31 =	vadd.f32 v38, v35;
	v14 =	vld.idx.msk [tilespmem:v5+s24+$0x80 ss:$0x1], $0xffff  }
0x5c: {  	v27 =	vadd.f32 v30, v27;
	v37 =	vmul.f32 v32, v32;
	v1 =	vadd.f32 v44, v1;
	v9 =	vld.idx.msk [tilespmem:v5+s24+$0x100 ss:$0x1], $0xffff  }
0x5d: {  	v28 =	vadd.f32 v32, v28;
	v38 =	vmul.f32 v36, v36;
	v33 =	vadd.f32 v16, v31;
	v35 =	vld.idx.msk [tilespmem:v5+s24+$0xFFFFFF00 ss:$0x1], $0xffff  }
0x5e: {  	v32 =	vadd.f32 v37, v45;
	v16 =	vmov v46;
	v2 =	vadd.f32 v48, v2;
	v31 =	vld.idx.msk [tilespmem:v5+s24+$0xFFFFFE80 ss:$0x1], $0xffff  }
.Ltmp0:
0x5f: {  	v18 =	vadd.f32 v25, v18;
	v37 =	vadd.f32 v47, v34;
	v45 =	vmul.f32 v42, v42;
	v36 =	vld.idx.msk [tilespmem:v5+s24+$0xFFFFFC80 ss:$0x1], $0xffff;
	(pc) =	sbr.rel @p4 .LBB2_4-.Ltmp0, $4  }
0x60: {  	v40 =	vmul.f32 v3, v3;
	v24 =	vadd.f32 v24, v39;
	v6 =	vadd.f32 v17, v6;
	v34 =	vld.idx.msk [tilespmem:v5+s24+$0xFFFFFC00 ss:$0x1], $0xffff  }
0x61: {  	v39 =	vmul.f32 v4, v4;
	v7 =	vadd.f32 v16, v7;
	v42 =	vadd.f32 v43, v32;
	v30 =	vld.idx.msk [tilespmem:v5+s24+$0xFFFFFD80 ss:$0x1], $0xffff  }
0x62: {  	v3 =	vmovc v44;
	v41 =	vadd.f32 v49, v24;
	v4 =	vmov v48;
	v8 =	vadd.f32 v9, v8;
	v25 =	vld.idx.msk [tilespmem:v5+s24+$0x180 ss:$0x1], $0xffff  }
0x63: {  	v24 =	vmul.f32 v19, v19;
	v37 =	vadd.f32 v45, v37;
	v13 =	vadd.f32 v35, v13;
	v32 =	vld.idx.msk [tilespmem:v5+s24+$0xFFFFFD00 ss:$0x1], $0xffff  }
0x64: {  	_ =	sdelay $0x1  }
0x65: {  	v5 =	vadd.f32 v36, v23;
	v23 =	vadd.f32 v34, v26;
	_ =	sdelay $0x1  }
0x66: {  	v43 =	vmul.f32 v5, v5;
	v56 =	vmul.f32 v23, v23;
	v26 =	vadd.f32 v32, v28;
	_ =	sdelay $0x1  }
0x67: {  	v27 =	vadd.f32 v30, v27;
	v28 =	vadd.f32 v43, v56;
	v57 =	vmul.f32 v26, v26;
	_ =	sdelay $0x1  }
0x68: {  	v20 =	vadd.f32 v21, v20;
	v58 =	vmul.f32 v27, v27;
	v28 =	vadd.f32 v57, v28;
	_ =	sdelay $0x1  }
0x69: {  	v22 =	vadd.f32 v31, v22;
	v59 =	vmul.f32 v20, v20;
	v28 =	vadd.f32 v58, v28  }
0x6a: {  	v15 =	vadd.f32 v19, v15;
	v60 =	vadd.f32 v38, v42;
	v35 =	vmul.f32 v35, v35  }
0x6b: {  	v61 =	vmul.f32 v36, v36;
	v62 =	vmul.f32 v22, v22;
	v28 =	vadd.f32 v59, v28  }
0x6c: {  	v63 =	vmul.f32 v31, v31;
	v40 =	vadd.f32 v40, v41;
	v33 =	vadd.f32 v39, v33  }
0x6d: {  	v44 =	vmul.f32 v21, v21;
	v42 =	vmul.f32 v13, v13;
	v28 =	vadd.f32 v62, v28  }
0x6e: {  	v45 =	vadd.f32 v11, v12;
	v16 =	vmul.f32 v16, v16;
	v52 =	vmul.f32 v14, v14  }
0x6f: {  	v55 =	vmul.f32 v8, v8;
	v47 =	vmul.f32 v15, v15;
	v46 =	vadd.f32 v42, v28  }
0x70: {  	v10 =	vadd.f32 v14, v10;
	v9 =	vmul.f32 v9, v9;
	v17 =	vmul.f32 v17, v17  }
0x71: {  	v41 =	vmul.f32 v34, v34;
	v51 =	vmul.f32 v45, v45;
	v12 =	vadd.f32 v47, v46  }
0x72: {  	v19 =	vadd.f32 v29, v60;
	v48 =	vadd.f32 v61, v33;
	v49 =	vmul.f32 v30, v30  }
0x73: {  	v53 =	vmul.f32 v10, v10;
	v34 =	vadd.f32 v41, v37;
	v12 =	vadd.f32 v51, v12  }
0x74: {  	v18 =	vadd.f32 v25, v18;
	v30 =	vadd.f32 v49, v40;
	v54 =	vmul.f32 v32, v32  }
0x75: {  	v4 =	vmul.f32 v4, v4;
	v29 =	vadd.f32 v63, v48;
	v12 =	vadd.f32 v53, v12  }
0x76: {  	[tilespmem:s21+$0x60] =	vst v13;
	v43 =	vmul.f32 v11, v11;
	v21 =	vadd.f32 v44, v34;
	v19 =	vadd.f32 v54, v19  }
0x77: {  	[tilespmem:s21+$0x10] =	vst v5;
	v14 =	vadd.f32 v52, v29;
	v57 =	vmul.f32 v18, v18;
	v56 =	vadd.f32 v55, v12  }
0x78: {  	[tilespmem:s21+$0x40] =	vst v20;
	v50 =	vmul.f32 v25, v25;
	v21 =	vadd.f32 v43, v21;
	v19 =	vadd.f32 v35, v19  }
0x79: {  	[tilespmem:s21+$0x50] =	vst v22;
	v58 =	vadd.f32 v24, v30;
	v59 =	vmul.f32 v6, v6;
	v5 =	vadd.f32 v57, v56  }
0x7a: {  	v3 =	vmul.f32 v3, v3;
	[tilespmem:s21+$0x70] =	vst v15;
	v4 =	vadd.f32 v4, v14;
	v9 =	vadd.f32 v9, v19  }
0x7b: {  	v60 =	vmul.f32 v2, v2;
	[tilespmem:s21+$0x0] =	vst v23;
	v23 =	vadd.f32 v50, v58;
	v5 =	vadd.f32 v59, v5  }
0x7c: {  	[tilespmem:s21+$0x30] =	vst v27;
	v17 =	vadd.f32 v17, v21;
	v9 =	vadd.f32 v16, v9  }
0x7d: {  	v61 =	vmul.f32 v7, v7;
	[tilespmem:s21+$0x20] =	vst v26;
	v3 =	vadd.f32 v3, v23;
	v5 =	vadd.f32 v60, v5  }
0x7e: {  	[tilespmem:s22+$0x80] =	vst v45;
	v4 =	vadd.f32 v4, v17  }
0x7f: {  	[tilespmem:s21+$0x90] =	vst v10;
	v62 =	vmul.f32 v1, v1;
	v3 =	vadd.f32 v3, v9;
	v5 =	vadd.f32 v61, v5  }
0x80: {  	[tilespmem:s21+$0xA0] =	vst v8  }
0x81: {  	s23 =	sshll.u32 s20, $0x4;
	s20 =	sadd.s32 $0x1, s20;
	[tilespmem:s21+$0xB0] =	vst v18;
	v3 =	vadd.f32 v3, v4;
	v63 =	vadd.f32 v62, v5  }
0x82: {  	p4 =	sne.s32 s20, $0x8;
	[tilespmem:s21+$0xC0] =	vst v6  }
.Ltmp1:
0x83: {  	[tilespmem:s21+$0xD0] =	vst v2;
	v2 =	vsub.f32 v63, v3;
	(pc) =	sbr.rel @p4 .LBB2_3-.Ltmp1, $4  }
0x84: {  	[tilespmem:s21+$0xE0] =	vst v7  }
0x85: {  	[tilespmem:s21+$0xF0] =	vst v1;
	v1 =	vmul.f32 $5.000000000e-01, v2  }
0x86: {  	s31 =	sand.u32 $0x3FFFFFF0, s23;
	[tilespmem:s22+$0x100] =	vst v3  }
0x87: {  	s19 =	sadd.s32 $0x10, s19;
	[tilespmem:v0+s31+$0x0 ss:$0x1] =	vst.idx.msk $0xffff, v1  }
0x88: {  	_ =	strace $0x9000004B  }
0x89: {  	s17 =	sadd.s32 @!p0 $0x3, s17;
	s19 =	simm.s32 @!p0 $0x0;
	_ =	strace @!p0 $0x8000004C  }
0x8a: {  	[hbm4b:s6+s19] =	stream.linear.scatter @!p0 [tilespmem:s18], [sflag:s17], $0x80, $0x200038;
	[tilespmem:$0x19980] =	vst v63  }
0x8b: {  	s17 =	simm.s32 $0x1  }
0x8c: {  	s17 =	simm.s32 @!p2 $0x0;
	p2 =	seq.s32 s16, $0x3  }
0x8d: {  	s18 =	simm.s32 $0x1;
	s16 =	sadd.s32 $0x1, s16;
	p1 =	por p2, p1  }
0x8e: {  	s18 =	simm.s32 @!p1 $0x0;
	p1 =	sne.s32 s16, $0x4  }
.Ltmp2:
0x8f: {  	_ = 	snop;
	(pc) =	sbr.rel @p1 .LBB2_2-.Ltmp2, $4  }
0x90: {  	_ = 	snop  }
0x91: {  	s15 =	sadd.s32 s17, s15;
	s17 =	simm.s32 $0x1  }
0x92: {  	s17 =	simm.s32 @!p2 $0x0  }
0x93: {  	_ =	strace @!p0 $0x9000004C;
	s13 =	sadd.s32 s17, s13;
	s14 =	sadd.s32 s18, s14  }
0x94: {  	s3 =	sadd.s32 $0x1, s3  }
0x95: {  	p0 =	sne.s32 s3, s7  }
.Ltmp3:
0x96: {  	_ =	strace $0x8000004D;
	(pc) =	sbr.rel @p0 .LBB2_1-.Ltmp3, $4  }
0x97: {  	_ =	swait.ge [sflag:s11], $0x80  }
0x98: {  	[sflag:s11] =	ssyncset.done $0x0  }
0x99: {  	[sflag:s11] =	ssyncadd.s32 $0xFFFFFF80  }
0x9a: {  	_ =	strace $0x9000004D  }
0x9b: {  	_ =	sfence.sel $0x180000  }
0x9c: {  	[bflag:$0x0] =	sbarrier.arrive $0xFFFF  }
0x9d: {  	p0 =	sne.s32 s1, $0x0;
	_ =	strace $0x90000047  }
0x9e: {  	s0 =	sadd.s32 @!p0 $0x100000, s0;
	[bflag:$0x2] =	sbarrier.arrive $0xFFFF  }
0x9f: {  	[sflag:s0] =	ssyncadd.tile.s32 @!p0 $0x1;
	_ =	shalt  }
.Lfunc_end2:
_tile_overlayer_lowered:
.L_overlay_start_2:
0xa0: {  	(tag) =	ssettag $0x2  }
0xa1: {  	s0 =	rddreg [dreg:$0x0];
	s2 =	stileid.u32  }
0xa2: {  	s1 =	rddreg [dreg:$0x1];
	p0 =	sne.s32 s2, $0x0  }
0xa3: {  	s3 =	rddreg [dreg:$0x2];
	[bflag:$0x3] =	sbarrier.arrive $0xFFFF;
	s2 =	simm.s32 @!p0 $0x1C01  }
0xa4: {  	[timem:s3], [sflag:s2] =	dma.local @!p0 [hbm:s0], s1  }
0xa5: {  	s0 =	simm.s32 @!p0 $0x1  }
0xa6: {  	_ =	swait.ge @!p0 [sflag:s0], s1  }
0xa7: {  	s1 =	ssub.s32 @!p0 $0x0, s1;
	[sflag:s0] =	ssyncset.done @!p0 $0x0  }
0xa8: {  	[sflag:s0] =	ssyncadd.s32 @!p0 s1  }
0xa9: {  	[bflag:$0x3] =	sbarrier.arrive $0xFFFF  }
0xaa: {  	_ =	shalt  }

</sc_bundles>
